<compile_context>
chip_gen: v7x
topology: tpu7x:2x2x1
jax: 0.10.2.dev20260603
libtpu: 0.0.44.dev20260713+nightly
codegen_flags: <defaults>
</compile_context>

<pallas_src>
import jax
import jax.numpy as jnp
from jax import lax
from jax.experimental import pallas as pl
from jax.experimental.pallas import tpu as pltpu
from jax.experimental.pallas import tpu_sc as plsc

EPS = 1e-5
NC = 2
NS = 16
NT = NC * NS
EK = 128
CH0_FRAC_NUM = 7
CH0_FRAC_DEN = 10
CH0B_FRAC_NUM = 3
CH0B_FRAC_DEN = 4


def _mesh():
    return plsc.VectorSubcoreMesh(core_axis_name="c", subcore_axis_name="s")


def _sc_degree(dstp, npad, ch0, ch1):
    chf = dstp.shape[2]
    rpt = npad // NS

    def body(dst_hbm, out_hbm, dst_v, ones_v, z_v, acc_s):
        c = lax.axis_index("c")
        s = lax.axis_index("s")

        def init_ones(i, carry):
            ones_v[pl.ds(i * 16, 16)] = jnp.ones((16,), jnp.float32)
            return carry

        lax.fori_loop(0, EK // 16, init_ones, 0)

        def init_zero(i, carry):
            z_v[pl.ds(i * 16, 16)] = jnp.zeros((16,), jnp.float32)
            return carry

        lax.fori_loop(0, rpt // 16, init_zero, 0)

        pltpu.sync_copy(z_v, acc_s.at[pl.ds(s * rpt, rpt)])

        @pl.when(c == 0)
        def _():
            pltpu.sync_copy(dst_hbm.at[0, s], dst_v.at[0])
            pltpu.sync_copy(dst_hbm.at[1, s], dst_v.at[1])

        plsc.subcore_barrier()

        @pl.when(c == 0)
        def _():
            for cc, nch in ((0, ch0), (1, ch1)):
                def step(j, carry, cc=cc):
                    pltpu.sync_copy(ones_v, acc_s.at[dst_v.at[cc, j]],
                                    add=True)
                    return carry

                lax.fori_loop(0, nch, step, 0)

        plsc.subcore_barrier()
        pltpu.sync_copy(acc_s.at[pl.ds(s * rpt, rpt)],
                        out_hbm.at[c, pl.ds(s * rpt, rpt)])

    f = pl.kernel(
        body,
        out_type=jax.ShapeDtypeStruct((NC, npad), jnp.float32),
        mesh=_mesh(),
        scratch_types=[
            pltpu.VMEM((NC, chf, EK), jnp.int32),
            pltpu.VMEM((EK,), jnp.float32),
            pltpu.VMEM((rpt,), jnp.float32),
            pltpu.VMEM_SHARED((npad,), jnp.float32),
        ],
    )
    return f(dstp)


def _sc_propagate(h, srcp, dstp, npad, ch0, ch1, width):
    n = h.shape[0]
    chf = srcp.shape[2]
    rpt = npad // NS
    assert rpt % EK == 0

    def body(h_hbm, src_hbm, dst_hbm, out_hbm, src_v, dst_v, rows0_v,
             acc_s, sem0):
        c = lax.axis_index("c")
        s = lax.axis_index("s")
        nch = jnp.where(c == 0, ch0, ch1)

        def init_zero(i, carry):
            r = i // (width // 16)
            k = i % (width // 16)
            rows0_v[r, pl.ds(k * 16, 16)] = jnp.zeros((16,), jnp.float32)
            return carry

        lax.fori_loop(0, EK * (width // 16), init_zero, 0)

        pltpu.sync_copy(src_hbm.at[c, s], src_v)
        pltpu.sync_copy(dst_hbm.at[c, s], dst_v)

        def zcopy(t, carry):
            pltpu.sync_copy(rows0_v, acc_s.at[pl.ds(s * rpt + t * EK, EK)])
            return carry

        lax.fori_loop(0, rpt // EK, zcopy, 0)
        plsc.subcore_barrier()

        def step(j, carry):
            pltpu.async_copy(h_hbm.at[src_v.at[j]], rows0_v, sem0).wait()
            pltpu.sync_copy(rows0_v, acc_s.at[dst_v.at[j]], add=True)
            return carry

        lax.fori_loop(0, nch, step, 0)
        plsc.subcore_barrier()
        pltpu.sync_copy(acc_s.at[pl.ds(s * rpt, rpt)],
                        out_hbm.at[c, pl.ds(s * rpt, rpt)])

    f = pl.kernel(
        body,
        out_type=jax.ShapeDtypeStruct((NC, npad, width), jnp.float32),
        mesh=_mesh(),
        scratch_types=[
            pltpu.VMEM((chf, EK), jnp.int32),
            pltpu.VMEM((chf, EK), jnp.int32),
            pltpu.VMEM((EK, width), jnp.float32),
            pltpu.VMEM_SHARED((npad, width), jnp.float32),
            pltpu.SemaphoreType.DMA,
        ],
    )
    return f(h, srcp, dstp)


def _tc_first(x, W, degT):
    n, d = x.shape
    h = W.shape[1]
    R = 2000

    def body(x_ref, w_ref, deg_ref, h_ref, dinv_ref):
        dg = deg_ref[...]
        dinv = lax.rsqrt(dg[:, 0] + dg[:, 1] + 1.0)[:, None]
        hh = jnp.dot(x_ref[...], w_ref[...], preferred_element_type=jnp.float32)
        h_ref[...] = hh * dinv
        dinv_ref[...] = dinv

    return pl.pallas_call(
        body,
        grid=(n // R,),
        in_specs=[
            pl.BlockSpec((R, d), lambda i: (i, 0)),
            pl.BlockSpec((d, h), lambda i: (0, 0)),
            pl.BlockSpec((R, 2), lambda i: (i, 0)),
        ],
        out_specs=[
            pl.BlockSpec((R, h), lambda i: (i, 0)),
            pl.BlockSpec((R, 1), lambda i: (i, 0)),
        ],
        out_shape=[
            jax.ShapeDtypeStruct((n, h), jnp.float32),
            jax.ShapeDtypeStruct((n, 1), jnp.float32),
        ],
    )(x, W, degT)


def _tc_mid(p, hprev, dinv, b, g, be, m, v, W):
    n, hin = hprev.shape
    hout = W.shape[1]
    R = 2000

    def body(p_ref, hp_ref, dinv_ref, b_ref, g_ref, be_ref, m_ref, v_ref,
             w_ref, o_ref):
        dv = dinv_ref[...]
        z = dv * (p_ref[0] + p_ref[1] + hp_ref[...]) + b_ref[...][None, :]
        sc = (lax.rsqrt(v_ref[...] + EPS) * g_ref[...])[None, :]
        z = (z - m_ref[...][None, :]) * sc + be_ref[...][None, :]
        z = jnp.maximum(z, 0.0)
        o_ref[...] = jnp.dot(z, w_ref[...],
                             preferred_element_type=jnp.float32) * dv

    return pl.pallas_call(
        body,
        grid=(n // R,),
        in_specs=[
            pl.BlockSpec((2, R, hin), lambda i: (0, i, 0)),
            pl.BlockSpec((R, hin), lambda i: (i, 0)),
            pl.BlockSpec((R, 1), lambda i: (i, 0)),
            pl.BlockSpec((hin,), lambda i: (0,)),
            pl.BlockSpec((hin,), lambda i: (0,)),
            pl.BlockSpec((hin,), lambda i: (0,)),
            pl.BlockSpec((hin,), lambda i: (0,)),
            pl.BlockSpec((hin,), lambda i: (0,)),
            pl.BlockSpec((hin, hout), lambda i: (0, 0)),
        ],
        out_specs=pl.BlockSpec((R, hout), lambda i: (i, 0)),
        out_shape=jax.ShapeDtypeStruct((n, hout), jnp.float32),
    )(p, hprev, dinv, b, g, be, m, v, W)


def _tc_act(p, hprev, dinv, b, g, be, m, v):
    n, hin = hprev.shape
    R = 2000

    def body(p_ref, hp_ref, dinv_ref, b_ref, g_ref, be_ref, m_ref, v_ref,
             o_ref):
        dv = dinv_ref[...]
        z = dv * (p_ref[0] + p_ref[1] + hp_ref[...]) + b_ref[...][None, :]
        sc = (lax.rsqrt(v_ref[...] + EPS) * g_ref[...])[None, :]
        z = (z - m_ref[...][None, :]) * sc + be_ref[...][None, :]
        o_ref[...] = jnp.maximum(z, 0.0) * dv

    return pl.pallas_call(
        body,
        grid=(n // R,),
        in_specs=[
            pl.BlockSpec((2, R, hin), lambda i: (0, i, 0)),
            pl.BlockSpec((R, hin), lambda i: (i, 0)),
            pl.BlockSpec((R, 1), lambda i: (i, 0)),
            pl.BlockSpec((hin,), lambda i: (0,)),
            pl.BlockSpec((hin,), lambda i: (0,)),
            pl.BlockSpec((hin,), lambda i: (0,)),
            pl.BlockSpec((hin,), lambda i: (0,)),
            pl.BlockSpec((hin,), lambda i: (0,)),
        ],
        out_specs=pl.BlockSpec((R, hin), lambda i: (i, 0)),
        out_shape=jax.ShapeDtypeStruct((n, hin), jnp.float32),
    )(p, hprev, dinv, b, g, be, m, v)


def _tc_final(p, hprev, dinv, W, b):
    n, hin = hprev.shape
    c = W.shape[1]
    R = 2000

    def body(p_ref, hp_ref, dinv_ref, w_ref, b_ref, o_ref):
        dv = dinv_ref[...]
        q = dv * (p_ref[0] + p_ref[1] + hp_ref[...])
        o_ref[...] = jnp.dot(q, w_ref[...],
                             preferred_element_type=jnp.float32) + b_ref[...][None, :]

    return pl.pallas_call(
        body,
        grid=(n // R,),
        in_specs=[
            pl.BlockSpec((2, R, hin), lambda i: (0, i, 0)),
            pl.BlockSpec((R, hin), lambda i: (i, 0)),
            pl.BlockSpec((R, 1), lambda i: (i, 0)),
            pl.BlockSpec((hin, c), lambda i: (0, 0)),
            pl.BlockSpec((c,), lambda i: (0,)),
        ],
        out_specs=pl.BlockSpec((R, c), lambda i: (i, 0)),
        out_shape=jax.ShapeDtypeStruct((n, c), jnp.float32),
    )(p, hprev, dinv, W, b)


def kernel(x, edge_index, W1, b1, g1, be1, m1, v1, W2, b2, g2, be2, m2, v2,
           W3, b3):
    n, d = x.shape
    e = edge_index.shape[1]
    npad = -(-n // (NS * 16)) * (NS * 16)

    src = edge_index[0]
    dst = edge_index[1]

    def layout(num, den):
        ch_total = 2 * (-(-e // (2 * NS * EK)))
        ch0 = num * ch_total // den
        ch1 = ch_total - ch0
        chf = max(ch0, ch1)
        cap0 = NS * ch0 * EK
        cap1 = NS * ch1 * EK
        srcf = jnp.concatenate(
            [src, jnp.zeros((cap0 + cap1 - e,), jnp.int32)])
        dstf = jnp.concatenate(
            [dst, jnp.full((cap0 + cap1 - e,), n, jnp.int32)])
        s0 = jnp.pad(srcf[:cap0].reshape(NS, ch0, EK),
                     ((0, 0), (0, chf - ch0), (0, 0)))
        s1 = jnp.pad(srcf[cap0:].reshape(NS, ch1, EK),
                     ((0, 0), (0, chf - ch1), (0, 0)))
        d0 = jnp.pad(dstf[:cap0].reshape(NS, ch0, EK),
                     ((0, 0), (0, chf - ch0), (0, 0)), constant_values=n)
        d1 = jnp.pad(dstf[cap0:].reshape(NS, ch1, EK),
                     ((0, 0), (0, chf - ch1), (0, 0)), constant_values=n)
        return jnp.stack([s0, s1]), jnp.stack([d0, d1]), ch0, ch1

    srcp, dstp, ch0, ch1 = layout(CH0_FRAC_NUM, CH0_FRAC_DEN)
    srcpb, dstpb, ch0b, ch1b = layout(CH0B_FRAC_NUM, CH0B_FRAC_DEN)

    deg = _sc_degree(dstp, npad, ch0, ch1)
    degT = deg.T

    h1, dinv = _tc_first(x, W1, degT)
    p1 = _sc_propagate(h1, srcpb, dstpb, npad, ch0b, ch1b, 128)
    h2 = _tc_mid(p1, h1, dinv, b1, g1, be1, m1, v1, W2)
    p2 = _sc_propagate(h2, srcpb, dstpb, npad, ch0b, ch1b, 128)
    z2 = _tc_act(p2, h2, dinv, b2, g2, be2, m2, v2)
    p3 = _sc_propagate(z2, srcp, dstp, npad, ch0, ch1, 128)
    return _tc_final(p3, z2, dinv, W3, b3)

# --- scband reference (transcript-rebuilt; emitter-appended) ---
"""Pipeline reference for scband-gcn-89970974917000 (READ-ONLY COPY).

The authoritative reference and input builder live on the scoring server;
editing this copy changes nothing except your own understanding.
"""

import jax, jax.numpy as jnp
import numpy as np

N = 10000
E = 320000
D = 128
H = 128
C = 4
EPS = 1e-5


def setup_inputs(seed: int = 0) -> dict:
    key = jax.random.key(seed)
    ks = jax.random.split(key, 8)
    x = jax.random.normal(ks[0], (N, D), dtype=jnp.float32)
    edge_index = jax.random.randint(ks[1], (2, E), 0, N, dtype=jnp.int32)
    # GCNConv weights (glorot-ish scaling)
    W1 = jax.random.normal(ks[2], (D, H), dtype=jnp.float32) * (1.0 / np.sqrt(D))
    b1 = jnp.zeros((H,), dtype=jnp.float32)
    W2 = jax.random.normal(ks[3], (H, H), dtype=jnp.float32) * (1.0 / np.sqrt(H))
    b2 = jnp.zeros((H,), dtype=jnp.float32)
    W3 = jax.random.normal(ks[4], (H, C), dtype=jnp.float32) * (1.0 / np.sqrt(H))
    b3 = jnp.zeros((C,), dtype=jnp.float32)
    # BatchNorm params + running stats (eval mode)
    g1 = jnp.ones((H,), dtype=jnp.float32)
    be1 = jnp.zeros((H,), dtype=jnp.float32)
    m1 = jax.random.normal(ks[5], (H,), dtype=jnp.float32) * 0.1
    v1 = jnp.ones((H,), dtype=jnp.float32)
    g2 = jnp.ones((H,), dtype=jnp.float32)
    be2 = jnp.zeros((H,), dtype=jnp.float32)
    m2 = jax.random.normal(ks[6], (H,), dtype=jnp.float32) * 0.1
    v2 = jnp.ones((H,), dtype=jnp.float32)
    return {
        "x": x, "edge_index": edge_index,
        "W1": W1, "b1": b1, "g1": g1, "be1": be1, "m1": m1, "v1": v1,
        "W2": W2, "b2": b2, "g2": g2, "be2": be2, "m2": m2, "v2": v2,
        "W3": W3, "b3": b3,
    }


def _gcn_conv(x, src, dst, W, b):
    n = x.shape[0]
    loop = jnp.arange(n, dtype=src.dtype)
    s = jnp.concatenate([src, loop])
    d = jnp.concatenate([dst, loop])
    deg = jnp.zeros((n,), dtype=x.dtype).at[d].add(1.0)
    dinv = jax.lax.rsqrt(deg)  # deg >= 1 due to self-loops
    norm = dinv[s] * dinv[d]
    h = x @ W
    msg = h[s] * norm[:, None]
    out = jax.ops.segment_sum(msg, d, num_segments=n)
    return out + b


def _batchnorm(x, gamma, beta, mean, var):
    return (x - mean) * jax.lax.rsqrt(var + EPS) * gamma + beta


def reference(x, edge_index, W1, b1, g1, be1, m1, v1, W2, b2, g2, be2, m2, v2, W3, b3):
    src = edge_index[0]
    dst = edge_index[1]
    h = _gcn_conv(x, src, dst, W1, b1)
    h = jax.nn.relu(_batchnorm(h, g1, be1, m1, v1))
    # dropout is identity in eval mode
    h = _gcn_conv(h, src, dst, W2, b2)
    h = jax.nn.relu(_batchnorm(h, g2, be2, m2, v2))
    h = _gcn_conv(h, src, dst, W3, b3)
    return h

if __name__ == "__main__":
    import jax
    _d = setup_inputs()
    print(jax.jit(kernel)(*tuple(_d.values())))

</pallas_src>

<mosaic_0001>
#map = affine_map<(d0, d1) -> (0, 0)>
#map1 = affine_map<(d0, d1) -> (0, 0, 0, 0)>
#map2 = affine_map<(d0, d1) -> (0, 0, 0)>
module attributes {stable_mosaic.version = 14 : i64} {
  func.func @body(%arg0: i32, %arg1: i32, %arg2: memref<10000x128xf32, #tpu.memory_space<hbm>>, %arg3: memref<2x16x118x128xi32, #tpu.memory_space<hbm>>, %arg4: memref<2x16x118x128xi32, #tpu.memory_space<hbm>>, %arg5: memref<2x10240x128xf32, #tpu.memory_space<hbm>>, %arg6: memref<118x128xi32, #tpu.memory_space<vmem>>, %arg7: memref<118x128xi32, #tpu.memory_space<vmem>>, %arg8: memref<128x128xf32, #tpu.memory_space<vmem>>, %arg9: memref<10240x128xf32, #tpu.memory_space<vmem_shared>>, %arg10: memref<!tpu.dma_semaphore, #tpu.memory_space<semaphore_mem>>) attributes {dimension_semantics = [#tpu.dimension_semantics<core_parallel>, #tpu.dimension_semantics<subcore_parallel>], iteration_bounds = array<i64: 2, 16>, scalar_prefetch = 0 : i64, scratch_operands = 5 : i64, tpu.core_type = #tpu.core_type<sc_vector_subcore>, window_params = [{transform_indices = #map}, {transform_indices = #map1}, {transform_indices = #map1}, {transform_indices = #map2}]} {
    %eq3A = arith.constant 0 : i32
    %eq3A_0 = arith.cmpi eq, %arg0, %eq3A : i32
    %jit3A = arith.constant 118 : i32
    %jit3A_1 = arith.constant 40 : i32
    %select_n3A = arith.select %eq3A_0, %jit3A, %jit3A_1 : i32
    %scan3A = arith.constant 0 : i32
    %scan3A_2 = arith.constant 0 : i32
    %scan3A_3 = arith.constant 1024 : i32
    %scan3A_4 = arith.addi %scan3A_2, %scan3A_3 : i32
    %scan3A_5 = arith.constant 1 : i32
    scf.for %scan3A_26 = %scan3A_2 to %scan3A_4 step %scan3A_5  : i32 {
      %jit3A_27 = arith.constant 8 : i32
      %div3A = arith.divsi %scan3A_26, %jit3A_27 : i32
      %sign3A = arith.constant 0 : i32
      %sign3A_28 = arith.cmpi sgt, %scan3A_26, %sign3A : i32
      %sign3A_29 = arith.extui %sign3A_28 : i1 to i32
      %sign3A_30 = arith.constant 0 : i32
      %sign3A_31 = arith.cmpi slt, %scan3A_26, %sign3A_30 : i32
      %sign3A_32 = arith.extui %sign3A_31 : i1 to i32
      %sign3A_33 = arith.subi %sign3A_29, %sign3A_32 : i32
      %sign3A_34 = arith.constant 0 : i32
      %sign3A_35 = arith.cmpi sgt, %jit3A_27, %sign3A_34 : i32
      %sign3A_36 = arith.extui %sign3A_35 : i1 to i32
      %sign3A_37 = arith.constant 0 : i32
      %sign3A_38 = arith.cmpi slt, %jit3A_27, %sign3A_37 : i32
      %sign3A_39 = arith.extui %sign3A_38 : i1 to i32
      %sign3A_40 = arith.subi %sign3A_36, %sign3A_39 : i32
      %ne3A = arith.cmpi ne, %sign3A_33, %sign3A_40 : i32
      %rem3A = arith.remsi %scan3A_26, %jit3A_27 : i32
      %ne3A_41 = arith.constant 0 : i32
      %ne3A_42 = arith.cmpi ne, %rem3A, %ne3A_41 : i32
      %and3A = arith.andi %ne3A, %ne3A_42 : i1
      %sub3A = arith.constant 1 : i32
      %sub3A_43 = arith.subi %div3A, %sub3A : i32
      %select_n3A_44 = arith.select %and3A, %sub3A_43, %div3A : i32
      %jit3A_45 = arith.constant 8 : i32
      %eq3A_46 = arith.constant 0 : i32
      %eq3A_47 = arith.cmpi eq, %jit3A_45, %eq3A_46 : i32
      %jit3A_48 = arith.constant 1 : i32
      %select_n3A_49 = arith.select %eq3A_47, %jit3A_48, %jit3A_45 : i32
      %rem3A_50 = arith.remsi %scan3A_26, %select_n3A_49 : i32
      %ne3A_51 = arith.constant 0 : i32
      %ne3A_52 = arith.cmpi ne, %rem3A_50, %ne3A_51 : i32
      %lt3A = arith.constant 0 : i32
      %lt3A_53 = arith.cmpi slt, %rem3A_50, %lt3A : i32
      %lt3A_54 = arith.constant 0 : i32
      %lt3A_55 = arith.cmpi slt, %select_n3A_49, %lt3A_54 : i32
      %ne3A_56 = arith.xori %lt3A_53, %lt3A_55 : i1
      %and3A_57 = arith.andi %ne3A_56, %ne3A_52 : i1
      %add3A = arith.addi %rem3A_50, %select_n3A_49 : i32
      %select_n3A_58 = arith.select %and3A_57, %add3A, %rem3A_50 : i32
      %broadcast_in_dim3A = arith.constant 0.000000e+00 : f32
      %broadcast_in_dim3A_59 = vector.broadcast %broadcast_in_dim3A : f32 to vector<16xf32>
      %mul3A_60 = arith.constant 16 : i32
      %mul3A_61 = arith.muli %select_n3A_58, %mul3A_60 : i32
      %swap3A = arith.index_cast %select_n3A_44 : i32 to index
      %swap3A_62 = arith.index_cast %mul3A_61 : i32 to index
      %swap3A_63 = tpu.vector_load %arg8[%swap3A, %swap3A_62] {strides = array<i32>} : memref<128x128xf32, #tpu.memory_space<vmem>>, vector<1x16xf32>,
      %swap3A_64 = vector.shape_cast %swap3A_63 : vector<1x16xf32> to vector<16xf32>
      %swap3A_65 = vector.shape_cast %broadcast_in_dim3A_59 : vector<16xf32> to vector<1x16xf32>
      tpu.vector_store %arg8[%swap3A, %swap3A_62], %swap3A_65 {strides = array<i32>} : memref<128x128xf32, #tpu.memory_space<vmem>>, vector<1x16xf32>,
    }
    %scan3A_6 = arith.constant 1024 : i32
    "tpu.region"() ({
      %run_scoped3A = tpu.sem_alloc : memref<!tpu.dma_semaphore, #tpu.memory_space<semaphore_mem>>
      %dma_start3A = arith.constant 0 : i32
      %dma_start3A_26 = arith.constant 0 : i32
      %dma_start3A_27 = tpu.memref_slice %arg3[%arg0, %arg1, %dma_start3A, %dma_start3A_26] : memref<2x16x118x128xi32, #tpu.memory_space<hbm>> -> memref<1x1x118x128xi32, #tpu.memory_space<hbm>>
      %dma_start3A_28 = tpu.memref_squeeze %dma_start3A_27 : memref<1x1x118x128xi32, #tpu.memory_space<hbm>> -> memref<118x128xi32, #tpu.memory_space<hbm>>
      %dma_start3A_29 = arith.constant 0 : i32
      %dma_start3A_30 = arith.constant 0 : i32
      %dma_start3A_31 = tpu.memref_slice %arg3[%arg0, %arg1, %dma_start3A_29, %dma_start3A_30] : memref<2x16x118x128xi32, #tpu.memory_space<hbm>> -> memref<1x1x118x128xi32, #tpu.memory_space<hbm>>
      %dma_start3A_32 = tpu.memref_squeeze %dma_start3A_31 : memref<1x1x118x128xi32, #tpu.memory_space<hbm>> -> memref<118x128xi32, #tpu.memory_space<hbm>>
      tpu.enqueue_dma source(%dma_start3A_32 : memref<118x128xi32, #tpu.memory_space<hbm>>) target(%arg6 : memref<118x128xi32, #tpu.memory_space<vmem>>) target_semaphore(%run_scoped3A : memref<!tpu.dma_semaphore, #tpu.memory_space<semaphore_mem>>)
      %dma_wait3A = arith.constant 0 : i32
      %dma_wait3A_33 = arith.constant 0 : i32
      %dma_wait3A_34 = tpu.memref_slice %arg3[%arg0, %arg1, %dma_wait3A, %dma_wait3A_33] : memref<2x16x118x128xi32, #tpu.memory_space<hbm>> -> memref<1x1x118x128xi32, #tpu.memory_space<hbm>>
      %dma_wait3A_35 = tpu.memref_squeeze %dma_wait3A_34 : memref<1x1x118x128xi32, #tpu.memory_space<hbm>> -> memref<118x128xi32, #tpu.memory_space<hbm>>
      %dma_wait3A_36 = arith.constant 0 : i32
      %dma_wait3A_37 = arith.constant 0 : i32
      %dma_wait3A_38 = tpu.memref_slice %arg3[%arg0, %arg1, %dma_wait3A_36, %dma_wait3A_37] : memref<2x16x118x128xi32, #tpu.memory_space<hbm>> -> memref<1x1x118x128xi32, #tpu.memory_space<hbm>>
      %dma_wait3A_39 = tpu.memref_squeeze %dma_wait3A_38 : memref<1x1x118x128xi32, #tpu.memory_space<hbm>> -> memref<118x128xi32, #tpu.memory_space<hbm>>
      tpu.wait_dma2 semaphore(%run_scoped3A : memref<!tpu.dma_semaphore, #tpu.memory_space<semaphore_mem>>) src(%dma_wait3A_39 : memref<118x128xi32, #tpu.memory_space<hbm>>) dst(%arg6 : memref<118x128xi32, #tpu.memory_space<vmem>>)
      tpu.yield
    }) : () -> ()
    "tpu.region"() ({
      %run_scoped3A = tpu.sem_alloc : memref<!tpu.dma_semaphore, #tpu.memory_space<semaphore_mem>>
      %dma_start3A = arith.constant 0 : i32
      %dma_start3A_26 = arith.constant 0 : i32
      %dma_start3A_27 = tpu.memref_slice %arg4[%arg0, %arg1, %dma_start3A, %dma_start3A_26] : memref<2x16x118x128xi32, #tpu.memory_space<hbm>> -> memref<1x1x118x128xi32, #tpu.memory_space<hbm>>
      %dma_start3A_28 = tpu.memref_squeeze %dma_start3A_27 : memref<1x1x118x128xi32, #tpu.memory_space<hbm>> -> memref<118x128xi32, #tpu.memory_space<hbm>>
      %dma_start3A_29 = arith.constant 0 : i32
      %dma_start3A_30 = arith.constant 0 : i32
      %dma_start3A_31 = tpu.memref_slice %arg4[%arg0, %arg1, %dma_start3A_29, %dma_start3A_30] : memref<2x16x118x128xi32, #tpu.memory_space<hbm>> -> memref<1x1x118x128xi32, #tpu.memory_space<hbm>>
      %dma_start3A_32 = tpu.memref_squeeze %dma_start3A_31 : memref<1x1x118x128xi32, #tpu.memory_space<hbm>> -> memref<118x128xi32, #tpu.memory_space<hbm>>
      tpu.enqueue_dma source(%dma_start3A_32 : memref<118x128xi32, #tpu.memory_space<hbm>>) target(%arg7 : memref<118x128xi32, #tpu.memory_space<vmem>>) target_semaphore(%run_scoped3A : memref<!tpu.dma_semaphore, #tpu.memory_space<semaphore_mem>>)
      %dma_wait3A = arith.constant 0 : i32
      %dma_wait3A_33 = arith.constant 0 : i32
      %dma_wait3A_34 = tpu.memref_slice %arg4[%arg0, %arg1, %dma_wait3A, %dma_wait3A_33] : memref<2x16x118x128xi32, #tpu.memory_space<hbm>> -> memref<1x1x118x128xi32, #tpu.memory_space<hbm>>
      %dma_wait3A_35 = tpu.memref_squeeze %dma_wait3A_34 : memref<1x1x118x128xi32, #tpu.memory_space<hbm>> -> memref<118x128xi32, #tpu.memory_space<hbm>>
      %dma_wait3A_36 = arith.constant 0 : i32
      %dma_wait3A_37 = arith.constant 0 : i32
      %dma_wait3A_38 = tpu.memref_slice %arg4[%arg0, %arg1, %dma_wait3A_36, %dma_wait3A_37] : memref<2x16x118x128xi32, #tpu.memory_space<hbm>> -> memref<1x1x118x128xi32, #tpu.memory_space<hbm>>
      %dma_wait3A_39 = tpu.memref_squeeze %dma_wait3A_38 : memref<1x1x118x128xi32, #tpu.memory_space<hbm>> -> memref<118x128xi32, #tpu.memory_space<hbm>>
      tpu.wait_dma2 semaphore(%run_scoped3A : memref<!tpu.dma_semaphore, #tpu.memory_space<semaphore_mem>>) src(%dma_wait3A_39 : memref<118x128xi32, #tpu.memory_space<hbm>>) dst(%arg7 : memref<118x128xi32, #tpu.memory_space<vmem>>)
      tpu.yield
    }) : () -> ()
    %scan3A_7 = arith.constant 0 : i32
    %scan3A_8 = arith.constant 0 : i32
    %scan3A_9 = arith.constant 5 : i32
    %scan3A_10 = arith.addi %scan3A_8, %scan3A_9 : i32
    %scan3A_11 = arith.constant 1 : i32
    scf.for %scan3A_26 = %scan3A_8 to %scan3A_10 step %scan3A_11  : i32 {
      %mul3A_27 = arith.constant 640 : i32
      %mul3A_28 = arith.muli %arg1, %mul3A_27 : i32
      %mul3A_29 = arith.constant 128 : i32
      %mul3A_30 = arith.muli %scan3A_26, %mul3A_29 : i32
      %add3A = arith.addi %mul3A_28, %mul3A_30 : i32
      "tpu.region"() ({
        %run_scoped3A = tpu.sem_alloc : memref<!tpu.dma_semaphore, #tpu.memory_space<semaphore_mem>>
        %dma_start3A = arith.constant 0 : i32
        %dma_start3A_31 = tpu.memref_slice %arg9[%add3A, %dma_start3A] : memref<10240x128xf32, #tpu.memory_space<vmem_shared>> -> memref<128x128xf32, #tpu.memory_space<vmem_shared>>
        %dma_start3A_32 = arith.constant 0 : i32
        %dma_start3A_33 = tpu.memref_slice %arg9[%add3A, %dma_start3A_32] : memref<10240x128xf32, #tpu.memory_space<vmem_shared>> -> memref<128x128xf32, #tpu.memory_space<vmem_shared>>
        tpu.enqueue_dma source(%arg8 : memref<128x128xf32, #tpu.memory_space<vmem>>) target(%dma_start3A_33 : memref<128x128xf32, #tpu.memory_space<vmem_shared>>) target_semaphore(%run_scoped3A : memref<!tpu.dma_semaphore, #tpu.memory_space<semaphore_mem>>)
        %dma_wait3A = arith.constant 0 : i32
        %dma_wait3A_34 = tpu.memref_slice %arg9[%add3A, %dma_wait3A] : memref<10240x128xf32, #tpu.memory_space<vmem_shared>> -> memref<128x128xf32, #tpu.memory_space<vmem_shared>>
        %dma_wait3A_35 = arith.constant 0 : i32
        %dma_wait3A_36 = tpu.memref_slice %arg9[%add3A, %dma_wait3A_35] : memref<10240x128xf32, #tpu.memory_space<vmem_shared>> -> memref<128x128xf32, #tpu.memory_space<vmem_shared>>
        tpu.wait_dma2 semaphore(%run_scoped3A : memref<!tpu.dma_semaphore, #tpu.memory_space<semaphore_mem>>) src(%arg8 : memref<128x128xf32, #tpu.memory_space<vmem>>) dst(%dma_wait3A_36 : memref<128x128xf32, #tpu.memory_space<vmem_shared>>)
        tpu.yield
      }) : () -> ()
    }
    %scan3A_12 = arith.constant 5 : i32
    %barrier3A = arith.constant 0 : index
    tpu.barrier barrier_id(%barrier3A)
    %while3A = arith.constant 0 : i32
    %while3A_13 = arith.constant 0 : i32
    %while3A_14 = arith.subi %select_n3A, %while3A_13 : i32
    %while3A_15 = arith.addi %while3A_13, %while3A_14 : i32
    %while3A_16 = arith.constant 1 : i32
    %while3A_17 = arith.divsi %while3A_14, %while3A_16 : i32
    %while3A_18 = arith.muli %while3A_17, %while3A_16 : i32
    %while3A_19 = arith.addi %while3A_13, %while3A_18 : i32
    %while3A_20 = arith.constant 1 : i32
    scf.for %while3A_26 = %while3A_13 to %while3A_19 step %while3A_20  : i32 {
      %dma_start3A = arith.constant 0 : i32
      %dma_start3A_27 = tpu.memref_slice %arg6[%while3A_26, %dma_start3A] : memref<118x128xi32, #tpu.memory_space<vmem>> -> memref<1x128xi32, #tpu.memory_space<vmem>>
      %dma_start3A_28 = tpu.memref_squeeze %dma_start3A_27 : memref<1x128xi32, #tpu.memory_space<vmem>> -> memref<128xi32, #tpu.memory_space<vmem>>
      %dma_start3A_29 = arith.constant 0 : i32
      %dma_start3A_30 = arith.constant 0 : i32
      %dma_start3A_31 = tpu.memref_slice %arg2[%dma_start3A_29, %dma_start3A_30] : memref<10000x128xf32, #tpu.memory_space<hbm>> -> memref<10000x128xf32, #tpu.memory_space<hbm>>
      tpu.enqueue_indirect_dma source(%dma_start3A_31 : memref<10000x128xf32, #tpu.memory_space<hbm>>) target(%arg8 : memref<128x128xf32, #tpu.memory_space<vmem>>) offsets(%dma_start3A_28 : memref<128xi32, #tpu.memory_space<vmem>>) semaphore(%arg10 : memref<!tpu.dma_semaphore, #tpu.memory_space<semaphore_mem>>)
      %dma_wait3A = arith.constant 0 : i32
      %dma_wait3A_32 = tpu.memref_slice %arg6[%while3A_26, %dma_wait3A] : memref<118x128xi32, #tpu.memory_space<vmem>> -> memref<1x128xi32, #tpu.memory_space<vmem>>
      %dma_wait3A_33 = tpu.memref_squeeze %dma_wait3A_32 : memref<1x128xi32, #tpu.memory_space<vmem>> -> memref<128xi32, #tpu.memory_space<vmem>>
      %dma_wait3A_34 = arith.constant 0 : i32
      %dma_wait3A_35 = arith.constant 0 : i32
      %dma_wait3A_36 = tpu.memref_slice %arg2[%dma_wait3A_34, %dma_wait3A_35] : memref<10000x128xf32, #tpu.memory_space<hbm>> -> memref<10000x128xf32, #tpu.memory_space<hbm>>
      tpu.wait_indirect_dma semaphore(%arg10 : memref<!tpu.dma_semaphore, #tpu.memory_space<semaphore_mem>>) src(%dma_wait3A_36 : memref<10000x128xf32, #tpu.memory_space<hbm>>) dst(%arg8 : memref<128x128xf32, #tpu.memory_space<vmem>>)
      "tpu.region"() ({
        %run_scoped3A = tpu.sem_alloc : memref<!tpu.dma_semaphore, #tpu.memory_space<semaphore_mem>>
        %dma_start3A_37 = arith.constant 0 : i32
        %dma_start3A_38 = tpu.memref_slice %arg7[%while3A_26, %dma_start3A_37] : memref<118x128xi32, #tpu.memory_space<vmem>> -> memref<1x128xi32, #tpu.memory_space<vmem>>
        %dma_start3A_39 = tpu.memref_squeeze %dma_start3A_38 : memref<1x128xi32, #tpu.memory_space<vmem>> -> memref<128xi32, #tpu.memory_space<vmem>>
        %dma_start3A_40 = arith.constant 0 : i32
        %dma_start3A_41 = arith.constant 0 : i32
        %dma_start3A_42 = tpu.memref_slice %arg9[%dma_start3A_40, %dma_start3A_41] : memref<10240x128xf32, #tpu.memory_space<vmem_shared>> -> memref<10240x128xf32, #tpu.memory_space<vmem_shared>>
        tpu.enqueue_indirect_dma source(%arg8 : memref<128x128xf32, #tpu.memory_space<vmem>>) target(%dma_start3A_42 : memref<10240x128xf32, #tpu.memory_space<vmem_shared>>) offsets(%dma_start3A_39 : memref<128xi32, #tpu.memory_space<vmem>>) semaphore(%run_scoped3A : memref<!tpu.dma_semaphore, #tpu.memory_space<semaphore_mem>>) {add = true}
        %dma_wait3A_43 = arith.constant 0 : i32
        %dma_wait3A_44 = tpu.memref_slice %arg7[%while3A_26, %dma_wait3A_43] : memref<118x128xi32, #tpu.memory_space<vmem>> -> memref<1x128xi32, #tpu.memory_space<vmem>>
        %dma_wait3A_45 = tpu.memref_squeeze %dma_wait3A_44 : memref<1x128xi32, #tpu.memory_space<vmem>> -> memref<128xi32, #tpu.memory_space<vmem>>
        %dma_wait3A_46 = arith.constant 0 : i32
        %dma_wait3A_47 = arith.constant 0 : i32
        %dma_wait3A_48 = tpu.memref_slice %arg9[%dma_wait3A_46, %dma_wait3A_47] : memref<10240x128xf32, #tpu.memory_space<vmem_shared>> -> memref<10240x128xf32, #tpu.memory_space<vmem_shared>>
        tpu.wait_indirect_dma semaphore(%run_scoped3A : memref<!tpu.dma_semaphore, #tpu.memory_space<semaphore_mem>>) src(%arg8 : memref<128x128xf32, #tpu.memory_space<vmem>>) dst(%dma_wait3A_48 : memref<10240x128xf32, #tpu.memory_space<vmem_shared>>)
        tpu.yield
      }) : () -> ()
    }
    %while3A_21 = arith.constant 1 : i32
    scf.for %while3A_26 = %while3A_19 to %while3A_15 step %while3A_21  : i32 {
      %dma_start3A = arith.constant 0 : i32
      %dma_start3A_27 = tpu.memref_slice %arg6[%while3A_26, %dma_start3A] : memref<118x128xi32, #tpu.memory_space<vmem>> -> memref<1x128xi32, #tpu.memory_space<vmem>>
      %dma_start3A_28 = tpu.memref_squeeze %dma_start3A_27 : memref<1x128xi32, #tpu.memory_space<vmem>> -> memref<128xi32, #tpu.memory_space<vmem>>
      %dma_start3A_29 = arith.constant 0 : i32
      %dma_start3A_30 = arith.constant 0 : i32
      %dma_start3A_31 = tpu.memref_slice %arg2[%dma_start3A_29, %dma_start3A_30] : memref<10000x128xf32, #tpu.memory_space<hbm>> -> memref<10000x128xf32, #tpu.memory_space<hbm>>
      tpu.enqueue_indirect_dma source(%dma_start3A_31 : memref<10000x128xf32, #tpu.memory_space<hbm>>) target(%arg8 : memref<128x128xf32, #tpu.memory_space<vmem>>) offsets(%dma_start3A_28 : memref<128xi32, #tpu.memory_space<vmem>>) semaphore(%arg10 : memref<!tpu.dma_semaphore, #tpu.memory_space<semaphore_mem>>)
      %dma_wait3A = arith.constant 0 : i32
      %dma_wait3A_32 = tpu.memref_slice %arg6[%while3A_26, %dma_wait3A] : memref<118x128xi32, #tpu.memory_space<vmem>> -> memref<1x128xi32, #tpu.memory_space<vmem>>
      %dma_wait3A_33 = tpu.memref_squeeze %dma_wait3A_32 : memref<1x128xi32, #tpu.memory_space<vmem>> -> memref<128xi32, #tpu.memory_space<vmem>>
      %dma_wait3A_34 = arith.constant 0 : i32
      %dma_wait3A_35 = arith.constant 0 : i32
      %dma_wait3A_36 = tpu.memref_slice %arg2[%dma_wait3A_34, %dma_wait3A_35] : memref<10000x128xf32, #tpu.memory_space<hbm>> -> memref<10000x128xf32, #tpu.memory_space<hbm>>
      tpu.wait_indirect_dma semaphore(%arg10 : memref<!tpu.dma_semaphore, #tpu.memory_space<semaphore_mem>>) src(%dma_wait3A_36 : memref<10000x128xf32, #tpu.memory_space<hbm>>) dst(%arg8 : memref<128x128xf32, #tpu.memory_space<vmem>>)
      "tpu.region"() ({
        %run_scoped3A = tpu.sem_alloc : memref<!tpu.dma_semaphore, #tpu.memory_space<semaphore_mem>>
        %dma_start3A_37 = arith.constant 0 : i32
        %dma_start3A_38 = tpu.memref_slice %arg7[%while3A_26, %dma_start3A_37] : memref<118x128xi32, #tpu.memory_space<vmem>> -> memref<1x128xi32, #tpu.memory_space<vmem>>
        %dma_start3A_39 = tpu.memref_squeeze %dma_start3A_38 : memref<1x128xi32, #tpu.memory_space<vmem>> -> memref<128xi32, #tpu.memory_space<vmem>>
        %dma_start3A_40 = arith.constant 0 : i32
        %dma_start3A_41 = arith.constant 0 : i32
        %dma_start3A_42 = tpu.memref_slice %arg9[%dma_start3A_40, %dma_start3A_41] : memref<10240x128xf32, #tpu.memory_space<vmem_shared>> -> memref<10240x128xf32, #tpu.memory_space<vmem_shared>>
        tpu.enqueue_indirect_dma source(%arg8 : memref<128x128xf32, #tpu.memory_space<vmem>>) target(%dma_start3A_42 : memref<10240x128xf32, #tpu.memory_space<vmem_shared>>) offsets(%dma_start3A_39 : memref<128xi32, #tpu.memory_space<vmem>>) semaphore(%run_scoped3A : memref<!tpu.dma_semaphore, #tpu.memory_space<semaphore_mem>>) {add = true}
        %dma_wait3A_43 = arith.constant 0 : i32
        %dma_wait3A_44 = tpu.memref_slice %arg7[%while3A_26, %dma_wait3A_43] : memref<118x128xi32, #tpu.memory_space<vmem>> -> memref<1x128xi32, #tpu.memory_space<vmem>>
        %dma_wait3A_45 = tpu.memref_squeeze %dma_wait3A_44 : memref<1x128xi32, #tpu.memory_space<vmem>> -> memref<128xi32, #tpu.memory_space<vmem>>
        %dma_wait3A_46 = arith.constant 0 : i32
        %dma_wait3A_47 = arith.constant 0 : i32
        %dma_wait3A_48 = tpu.memref_slice %arg9[%dma_wait3A_46, %dma_wait3A_47] : memref<10240x128xf32, #tpu.memory_space<vmem_shared>> -> memref<10240x128xf32, #tpu.memory_space<vmem_shared>>
        tpu.wait_indirect_dma semaphore(%run_scoped3A : memref<!tpu.dma_semaphore, #tpu.memory_space<semaphore_mem>>) src(%arg8 : memref<128x128xf32, #tpu.memory_space<vmem>>) dst(%dma_wait3A_48 : memref<10240x128xf32, #tpu.memory_space<vmem_shared>>)
        tpu.yield
      }) : () -> ()
    }
    %barrier3A_22 = arith.constant 0 : index
    tpu.barrier barrier_id(%barrier3A_22)
    %mul3A = arith.constant 640 : i32
    %mul3A_23 = arith.muli %arg1, %mul3A : i32
    %mul3A_24 = arith.constant 640 : i32
    %mul3A_25 = arith.muli %arg1, %mul3A_24 : i32
    "tpu.region"() ({
      %run_scoped3A = tpu.sem_alloc : memref<!tpu.dma_semaphore, #tpu.memory_space<semaphore_mem>>
      %dma_start3A = arith.constant 0 : i32
      %dma_start3A_26 = tpu.memref_slice %arg5[%arg0, %mul3A_25, %dma_start3A] : memref<2x10240x128xf32, #tpu.memory_space<hbm>> -> memref<1x640x128xf32, #tpu.memory_space<hbm>>
      %dma_start3A_27 = tpu.memref_squeeze %dma_start3A_26 : memref<1x640x128xf32, #tpu.memory_space<hbm>> -> memref<640x128xf32, #tpu.memory_space<hbm>>
      %dma_start3A_28 = arith.constant 0 : i32
      %dma_start3A_29 = tpu.memref_slice %arg9[%mul3A_23, %dma_start3A_28] : memref<10240x128xf32, #tpu.memory_space<vmem_shared>> -> memref<640x128xf32, #tpu.memory_space<vmem_shared>>
      tpu.enqueue_dma source(%dma_start3A_29 : memref<640x128xf32, #tpu.memory_space<vmem_shared>>) target(%dma_start3A_27 : memref<640x128xf32, #tpu.memory_space<hbm>>) target_semaphore(%run_scoped3A : memref<!tpu.dma_semaphore, #tpu.memory_space<semaphore_mem>>)
      %dma_wait3A = arith.constant 0 : i32
      %dma_wait3A_30 = tpu.memref_slice %arg5[%arg0, %mul3A_25, %dma_wait3A] : memref<2x10240x128xf32, #tpu.memory_space<hbm>> -> memref<1x640x128xf32, #tpu.memory_space<hbm>>
      %dma_wait3A_31 = tpu.memref_squeeze %dma_wait3A_30 : memref<1x640x128xf32, #tpu.memory_space<hbm>> -> memref<640x128xf32, #tpu.memory_space<hbm>>
      %dma_wait3A_32 = arith.constant 0 : i32
      %dma_wait3A_33 = tpu.memref_slice %arg9[%mul3A_23, %dma_wait3A_32] : memref<10240x128xf32, #tpu.memory_space<vmem_shared>> -> memref<640x128xf32, #tpu.memory_space<vmem_shared>>
      tpu.wait_dma2 semaphore(%run_scoped3A : memref<!tpu.dma_semaphore, #tpu.memory_space<semaphore_mem>>) src(%dma_wait3A_33 : memref<640x128xf32, #tpu.memory_space<vmem_shared>>) dst(%dma_wait3A_31 : memref<640x128xf32, #tpu.memory_space<hbm>>)
      tpu.yield
    }) : () -> ()
    return
  }
}

#map = affine_map<(d0, d1) -> (0, 0, 0, 0)>
#map1 = affine_map<(d0, d1) -> (0, 0)>
module attributes {stable_mosaic.version = 14 : i64} {
  func.func @body(%arg0: i32, %arg1: i32, %arg2: memref<2x16x110x128xi32, #tpu.memory_space<hbm>>, %arg3: memref<2x10240xf32, #tpu.memory_space<hbm>>, %arg4: memref<2x110x128xi32, #tpu.memory_space<vmem>>, %arg5: memref<128xf32, #tpu.memory_space<vmem>>, %arg6: memref<640xf32, #tpu.memory_space<vmem>>, %arg7: memref<10240xf32, #tpu.memory_space<vmem_shared>>) attributes {dimension_semantics = [#tpu.dimension_semantics<core_parallel>, #tpu.dimension_semantics<subcore_parallel>], iteration_bounds = array<i64: 2, 16>, scalar_prefetch = 0 : i64, scratch_operands = 4 : i64, tpu.core_type = #tpu.core_type<sc_vector_subcore>, window_params = [{transform_indices = #map}, {transform_indices = #map1}]} {
    %scan3A = arith.constant 0 : i32
    %scan3A_0 = arith.constant 0 : i32
    %scan3A_1 = arith.constant 8 : i32
    %scan3A_2 = arith.addi %scan3A_0, %scan3A_1 : i32
    %scan3A_3 = arith.constant 1 : i32
    scf.for %scan3A_24 = %scan3A_0 to %scan3A_2 step %scan3A_3  : i32 {
      %broadcast_in_dim3A = arith.constant 1.000000e+00 : f32
      %broadcast_in_dim3A_25 = vector.broadcast %broadcast_in_dim3A : f32 to vector<16xf32>
      %mul3A_26 = arith.constant 16 : i32
      %mul3A_27 = arith.muli %scan3A_24, %mul3A_26 : i32
      %swap3A = arith.index_cast %mul3A_27 : i32 to index
      %swap3A_28 = tpu.vector_load %arg5[%swap3A] {strides = array<i32>} : memref<128xf32, #tpu.memory_space<vmem>>, vector<16xf32>,
      %swap3A_29 = vector.shape_cast %swap3A_28 : vector<16xf32> to vector<16xf32>
      %swap3A_30 = vector.shape_cast %broadcast_in_dim3A_25 : vector<16xf32> to vector<16xf32>
      tpu.vector_store %arg5[%swap3A], %swap3A_30 {strides = array<i32>} : memref<128xf32, #tpu.memory_space<vmem>>, vector<16xf32>,
    }
    %scan3A_4 = arith.constant 8 : i32
    %scan3A_5 = arith.constant 0 : i32
    %scan3A_6 = arith.constant 0 : i32
    %scan3A_7 = arith.constant 40 : i32
    %scan3A_8 = arith.addi %scan3A_6, %scan3A_7 : i32
    %scan3A_9 = arith.constant 1 : i32
    scf.for %scan3A_24 = %scan3A_6 to %scan3A_8 step %scan3A_9  : i32 {
      %broadcast_in_dim3A = arith.constant 0.000000e+00 : f32
      %broadcast_in_dim3A_25 = vector.broadcast %broadcast_in_dim3A : f32 to vector<16xf32>
      %mul3A_26 = arith.constant 16 : i32
      %mul3A_27 = arith.muli %scan3A_24, %mul3A_26 : i32
      %swap3A = arith.index_cast %mul3A_27 : i32 to index
      %swap3A_28 = tpu.vector_load %arg6[%swap3A] {strides = array<i32>} : memref<640xf32, #tpu.memory_space<vmem>>, vector<16xf32>,
      %swap3A_29 = vector.shape_cast %swap3A_28 : vector<16xf32> to vector<16xf32>
      %swap3A_30 = vector.shape_cast %broadcast_in_dim3A_25 : vector<16xf32> to vector<16xf32>
      tpu.vector_store %arg6[%swap3A], %swap3A_30 {strides = array<i32>} : memref<640xf32, #tpu.memory_space<vmem>>, vector<16xf32>,
    }
    %scan3A_10 = arith.constant 40 : i32
    %mul3A = arith.constant 640 : i32
    %mul3A_11 = arith.muli %arg1, %mul3A : i32
    "tpu.region"() ({
      %run_scoped3A = tpu.sem_alloc : memref<!tpu.dma_semaphore, #tpu.memory_space<semaphore_mem>>
      %dma_start3A = tpu.memref_slice %arg7[%mul3A_11] : memref<10240xf32, #tpu.memory_space<vmem_shared>> -> memref<640xf32, #tpu.memory_space<vmem_shared>>
      %dma_start3A_24 = tpu.memref_slice %arg7[%mul3A_11] : memref<10240xf32, #tpu.memory_space<vmem_shared>> -> memref<640xf32, #tpu.memory_space<vmem_shared>>
      tpu.enqueue_dma source(%arg6 : memref<640xf32, #tpu.memory_space<vmem>>) target(%dma_start3A_24 : memref<640xf32, #tpu.memory_space<vmem_shared>>) target_semaphore(%run_scoped3A : memref<!tpu.dma_semaphore, #tpu.memory_space<semaphore_mem>>)
      %dma_wait3A = tpu.memref_slice %arg7[%mul3A_11] : memref<10240xf32, #tpu.memory_space<vmem_shared>> -> memref<640xf32, #tpu.memory_space<vmem_shared>>
      %dma_wait3A_25 = tpu.memref_slice %arg7[%mul3A_11] : memref<10240xf32, #tpu.memory_space<vmem_shared>> -> memref<640xf32, #tpu.memory_space<vmem_shared>>
      tpu.wait_dma2 semaphore(%run_scoped3A : memref<!tpu.dma_semaphore, #tpu.memory_space<semaphore_mem>>) src(%arg6 : memref<640xf32, #tpu.memory_space<vmem>>) dst(%dma_wait3A_25 : memref<640xf32, #tpu.memory_space<vmem_shared>>)
      tpu.yield
    }) : () -> ()
    %eq3A = arith.constant 0 : i32
    %eq3A_12 = arith.cmpi eq, %arg0, %eq3A : i32
    %convert_element_type3A = arith.extui %eq3A_12 : i1 to i32
    %cond3A = arith.constant 0 : i32
    %cond3A_13 = arith.cmpi ne, %convert_element_type3A, %cond3A : i32
    scf.if %cond3A_13 {
      %run_scoped3A = arith.constant 0 : i32
      %run_scoped3A_24 = arith.constant 0 : i32
      "tpu.region"() ({
        %run_scoped3A_27 = tpu.sem_alloc : memref<!tpu.dma_semaphore, #tpu.memory_space<semaphore_mem>>
        %dma_start3A = arith.constant 0 : i32
        %dma_start3A_28 = arith.constant 0 : i32
        %dma_start3A_29 = tpu.memref_slice %arg4[%run_scoped3A_24, %dma_start3A, %dma_start3A_28] : memref<2x110x128xi32, #tpu.memory_space<vmem>> -> memref<1x110x128xi32, #tpu.memory_space<vmem>>
        %dma_start3A_30 = tpu.memref_squeeze %dma_start3A_29 : memref<1x110x128xi32, #tpu.memory_space<vmem>> -> memref<110x128xi32, #tpu.memory_space<vmem>>
        %dma_start3A_31 = arith.constant 0 : i32
        %dma_start3A_32 = arith.constant 0 : i32
        %dma_start3A_33 = tpu.memref_slice %arg2[%run_scoped3A, %arg1, %dma_start3A_31, %dma_start3A_32] : memref<2x16x110x128xi32, #tpu.memory_space<hbm>> -> memref<1x1x110x128xi32, #tpu.memory_space<hbm>>
        %dma_start3A_34 = tpu.memref_squeeze %dma_start3A_33 : memref<1x1x110x128xi32, #tpu.memory_space<hbm>> -> memref<110x128xi32, #tpu.memory_space<hbm>>
        %dma_start3A_35 = arith.constant 0 : i32
        %dma_start3A_36 = arith.constant 0 : i32
        %dma_start3A_37 = tpu.memref_slice %arg4[%run_scoped3A_24, %dma_start3A_35, %dma_start3A_36] : memref<2x110x128xi32, #tpu.memory_space<vmem>> -> memref<1x110x128xi32, #tpu.memory_space<vmem>>
        %dma_start3A_38 = tpu.memref_squeeze %dma_start3A_37 : memref<1x110x128xi32, #tpu.memory_space<vmem>> -> memref<110x128xi32, #tpu.memory_space<vmem>>
        %dma_start3A_39 = arith.constant 0 : i32
        %dma_start3A_40 = arith.constant 0 : i32
        %dma_start3A_41 = tpu.memref_slice %arg2[%run_scoped3A, %arg1, %dma_start3A_39, %dma_start3A_40] : memref<2x16x110x128xi32, #tpu.memory_space<hbm>> -> memref<1x1x110x128xi32, #tpu.memory_space<hbm>>
        %dma_start3A_42 = tpu.memref_squeeze %dma_start3A_41 : memref<1x1x110x128xi32, #tpu.memory_space<hbm>> -> memref<110x128xi32, #tpu.memory_space<hbm>>
        tpu.enqueue_dma source(%dma_start3A_42 : memref<110x128xi32, #tpu.memory_space<hbm>>) target(%dma_start3A_38 : memref<110x128xi32, #tpu.memory_space<vmem>>) target_semaphore(%run_scoped3A_27 : memref<!tpu.dma_semaphore, #tpu.memory_space<semaphore_mem>>)
        %dma_wait3A = arith.constant 0 : i32
        %dma_wait3A_43 = arith.constant 0 : i32
        %dma_wait3A_44 = tpu.memref_slice %arg4[%run_scoped3A_24, %dma_wait3A, %dma_wait3A_43] : memref<2x110x128xi32, #tpu.memory_space<vmem>> -> memref<1x110x128xi32, #tpu.memory_space<vmem>>
        %dma_wait3A_45 = tpu.memref_squeeze %dma_wait3A_44 : memref<1x110x128xi32, #tpu.memory_space<vmem>> -> memref<110x128xi32, #tpu.memory_space<vmem>>
        %dma_wait3A_46 = arith.constant 0 : i32
        %dma_wait3A_47 = arith.constant 0 : i32
        %dma_wait3A_48 = tpu.memref_slice %arg2[%run_scoped3A, %arg1, %dma_wait3A_46, %dma_wait3A_47] : memref<2x16x110x128xi32, #tpu.memory_space<hbm>> -> memref<1x1x110x128xi32, #tpu.memory_space<hbm>>
        %dma_wait3A_49 = tpu.memref_squeeze %dma_wait3A_48 : memref<1x1x110x128xi32, #tpu.memory_space<hbm>> -> memref<110x128xi32, #tpu.memory_space<hbm>>
        %dma_wait3A_50 = arith.constant 0 : i32
        %dma_wait3A_51 = arith.constant 0 : i32
        %dma_wait3A_52 = tpu.memref_slice %arg4[%run_scoped3A_24, %dma_wait3A_50, %dma_wait3A_51] : memref<2x110x128xi32, #tpu.memory_space<vmem>> -> memref<1x110x128xi32, #tpu.memory_space<vmem>>
        %dma_wait3A_53 = tpu.memref_squeeze %dma_wait3A_52 : memref<1x110x128xi32, #tpu.memory_space<vmem>> -> memref<110x128xi32, #tpu.memory_space<vmem>>
        %dma_wait3A_54 = arith.constant 0 : i32
        %dma_wait3A_55 = arith.constant 0 : i32
        %dma_wait3A_56 = tpu.memref_slice %arg2[%run_scoped3A, %arg1, %dma_wait3A_54, %dma_wait3A_55] : memref<2x16x110x128xi32, #tpu.memory_space<hbm>> -> memref<1x1x110x128xi32, #tpu.memory_space<hbm>>
        %dma_wait3A_57 = tpu.memref_squeeze %dma_wait3A_56 : memref<1x1x110x128xi32, #tpu.memory_space<hbm>> -> memref<110x128xi32, #tpu.memory_space<hbm>>
        tpu.wait_dma2 semaphore(%run_scoped3A_27 : memref<!tpu.dma_semaphore, #tpu.memory_space<semaphore_mem>>) src(%dma_wait3A_57 : memref<110x128xi32, #tpu.memory_space<hbm>>) dst(%dma_wait3A_53 : memref<110x128xi32, #tpu.memory_space<vmem>>)
        tpu.yield
      }) : () -> ()
      %run_scoped3A_25 = arith.constant 1 : i32
      %run_scoped3A_26 = arith.constant 1 : i32
      "tpu.region"() ({
        %run_scoped3A_27 = tpu.sem_alloc : memref<!tpu.dma_semaphore, #tpu.memory_space<semaphore_mem>>
        %dma_start3A = arith.constant 0 : i32
        %dma_start3A_28 = arith.constant 0 : i32
        %dma_start3A_29 = tpu.memref_slice %arg4[%run_scoped3A_26, %dma_start3A, %dma_start3A_28] : memref<2x110x128xi32, #tpu.memory_space<vmem>> -> memref<1x110x128xi32, #tpu.memory_space<vmem>>
        %dma_start3A_30 = tpu.memref_squeeze %dma_start3A_29 : memref<1x110x128xi32, #tpu.memory_space<vmem>> -> memref<110x128xi32, #tpu.memory_space<vmem>>
        %dma_start3A_31 = arith.constant 0 : i32
        %dma_start3A_32 = arith.constant 0 : i32
        %dma_start3A_33 = tpu.memref_slice %arg2[%run_scoped3A_25, %arg1, %dma_start3A_31, %dma_start3A_32] : memref<2x16x110x128xi32, #tpu.memory_space<hbm>> -> memref<1x1x110x128xi32, #tpu.memory_space<hbm>>
        %dma_start3A_34 = tpu.memref_squeeze %dma_start3A_33 : memref<1x1x110x128xi32, #tpu.memory_space<hbm>> -> memref<110x128xi32, #tpu.memory_space<hbm>>
        %dma_start3A_35 = arith.constant 0 : i32
        %dma_start3A_36 = arith.constant 0 : i32
        %dma_start3A_37 = tpu.memref_slice %arg4[%run_scoped3A_26, %dma_start3A_35, %dma_start3A_36] : memref<2x110x128xi32, #tpu.memory_space<vmem>> -> memref<1x110x128xi32, #tpu.memory_space<vmem>>
        %dma_start3A_38 = tpu.memref_squeeze %dma_start3A_37 : memref<1x110x128xi32, #tpu.memory_space<vmem>> -> memref<110x128xi32, #tpu.memory_space<vmem>>
        %dma_start3A_39 = arith.constant 0 : i32
        %dma_start3A_40 = arith.constant 0 : i32
        %dma_start3A_41 = tpu.memref_slice %arg2[%run_scoped3A_25, %arg1, %dma_start3A_39, %dma_start3A_40] : memref<2x16x110x128xi32, #tpu.memory_space<hbm>> -> memref<1x1x110x128xi32, #tpu.memory_space<hbm>>
        %dma_start3A_42 = tpu.memref_squeeze %dma_start3A_41 : memref<1x1x110x128xi32, #tpu.memory_space<hbm>> -> memref<110x128xi32, #tpu.memory_space<hbm>>
        tpu.enqueue_dma source(%dma_start3A_42 : memref<110x128xi32, #tpu.memory_space<hbm>>) target(%dma_start3A_38 : memref<110x128xi32, #tpu.memory_space<vmem>>) target_semaphore(%run_scoped3A_27 : memref<!tpu.dma_semaphore, #tpu.memory_space<semaphore_mem>>)
        %dma_wait3A = arith.constant 0 : i32
        %dma_wait3A_43 = arith.constant 0 : i32
        %dma_wait3A_44 = tpu.memref_slice %arg4[%run_scoped3A_26, %dma_wait3A, %dma_wait3A_43] : memref<2x110x128xi32, #tpu.memory_space<vmem>> -> memref<1x110x128xi32, #tpu.memory_space<vmem>>
        %dma_wait3A_45 = tpu.memref_squeeze %dma_wait3A_44 : memref<1x110x128xi32, #tpu.memory_space<vmem>> -> memref<110x128xi32, #tpu.memory_space<vmem>>
        %dma_wait3A_46 = arith.constant 0 : i32
        %dma_wait3A_47 = arith.constant 0 : i32
        %dma_wait3A_48 = tpu.memref_slice %arg2[%run_scoped3A_25, %arg1, %dma_wait3A_46, %dma_wait3A_47] : memref<2x16x110x128xi32, #tpu.memory_space<hbm>> -> memref<1x1x110x128xi32, #tpu.memory_space<hbm>>
        %dma_wait3A_49 = tpu.memref_squeeze %dma_wait3A_48 : memref<1x1x110x128xi32, #tpu.memory_space<hbm>> -> memref<110x128xi32, #tpu.memory_space<hbm>>
        %dma_wait3A_50 = arith.constant 0 : i32
        %dma_wait3A_51 = arith.constant 0 : i32
        %dma_wait3A_52 = tpu.memref_slice %arg4[%run_scoped3A_26, %dma_wait3A_50, %dma_wait3A_51] : memref<2x110x128xi32, #tpu.memory_space<vmem>> -> memref<1x110x128xi32, #tpu.memory_space<vmem>>
        %dma_wait3A_53 = tpu.memref_squeeze %dma_wait3A_52 : memref<1x110x128xi32, #tpu.memory_space<vmem>> -> memref<110x128xi32, #tpu.memory_space<vmem>>
        %dma_wait3A_54 = arith.constant 0 : i32
        %dma_wait3A_55 = arith.constant 0 : i32
        %dma_wait3A_56 = tpu.memref_slice %arg2[%run_scoped3A_25, %arg1, %dma_wait3A_54, %dma_wait3A_55] : memref<2x16x110x128xi32, #tpu.memory_space<hbm>> -> memref<1x1x110x128xi32, #tpu.memory_space<hbm>>
        %dma_wait3A_57 = tpu.memref_squeeze %dma_wait3A_56 : memref<1x1x110x128xi32, #tpu.memory_space<hbm>> -> memref<110x128xi32, #tpu.memory_space<hbm>>
        tpu.wait_dma2 semaphore(%run_scoped3A_27 : memref<!tpu.dma_semaphore, #tpu.memory_space<semaphore_mem>>) src(%dma_wait3A_57 : memref<110x128xi32, #tpu.memory_space<hbm>>) dst(%dma_wait3A_53 : memref<110x128xi32, #tpu.memory_space<vmem>>)
        tpu.yield
      }) : () -> ()
    } else {
    }
    %barrier3A = arith.constant 0 : index
    tpu.barrier barrier_id(%barrier3A)
    %eq3A_14 = arith.constant 0 : i32
    %eq3A_15 = arith.cmpi eq, %arg0, %eq3A_14 : i32
    %convert_element_type3A_16 = arith.extui %eq3A_15 : i1 to i32
    %cond3A_17 = arith.constant 0 : i32
    %cond3A_18 = arith.cmpi ne, %convert_element_type3A_16, %cond3A_17 : i32
    scf.if %cond3A_18 {
      %scan3A_24 = arith.constant 0 : i32
      %scan3A_25 = arith.constant 0 : i32
      %scan3A_26 = arith.constant 110 : i32
      %scan3A_27 = arith.addi %scan3A_25, %scan3A_26 : i32
      %scan3A_28 = arith.constant 1 : i32
      scf.for %scan3A_36 = %scan3A_25 to %scan3A_27 step %scan3A_28  : i32 {
        %run_scoped3A = arith.constant 0 : i32
        "tpu.region"() ({
          %run_scoped3A_37 = tpu.sem_alloc : memref<!tpu.dma_semaphore, #tpu.memory_space<semaphore_mem>>
          %dma_start3A = arith.constant 0 : i32
          %dma_start3A_38 = tpu.memref_slice %arg4[%run_scoped3A, %scan3A_36, %dma_start3A] : memref<2x110x128xi32, #tpu.memory_space<vmem>> -> memref<1x1x128xi32, #tpu.memory_space<vmem>>
          %dma_start3A_39 = tpu.memref_squeeze %dma_start3A_38 : memref<1x1x128xi32, #tpu.memory_space<vmem>> -> memref<128xi32, #tpu.memory_space<vmem>>
          %dma_start3A_40 = arith.constant 0 : i32
          %dma_start3A_41 = tpu.memref_slice %arg7[%dma_start3A_40] : memref<10240xf32, #tpu.memory_space<vmem_shared>> -> memref<10240xf32, #tpu.memory_space<vmem_shared>>
          tpu.enqueue_indirect_dma source(%arg5 : memref<128xf32, #tpu.memory_space<vmem>>) target(%dma_start3A_41 : memref<10240xf32, #tpu.memory_space<vmem_shared>>) offsets(%dma_start3A_39 : memref<128xi32, #tpu.memory_space<vmem>>) semaphore(%run_scoped3A_37 : memref<!tpu.dma_semaphore, #tpu.memory_space<semaphore_mem>>) {add = true}
          %dma_wait3A = arith.constant 0 : i32
          %dma_wait3A_42 = tpu.memref_slice %arg4[%run_scoped3A, %scan3A_36, %dma_wait3A] : memref<2x110x128xi32, #tpu.memory_space<vmem>> -> memref<1x1x128xi32, #tpu.memory_space<vmem>>
          %dma_wait3A_43 = tpu.memref_squeeze %dma_wait3A_42 : memref<1x1x128xi32, #tpu.memory_space<vmem>> -> memref<128xi32, #tpu.memory_space<vmem>>
          %dma_wait3A_44 = arith.constant 0 : i32
          %dma_wait3A_45 = tpu.memref_slice %arg7[%dma_wait3A_44] : memref<10240xf32, #tpu.memory_space<vmem_shared>> -> memref<10240xf32, #tpu.memory_space<vmem_shared>>
          tpu.wait_indirect_dma semaphore(%run_scoped3A_37 : memref<!tpu.dma_semaphore, #tpu.memory_space<semaphore_mem>>) src(%arg5 : memref<128xf32, #tpu.memory_space<vmem>>) dst(%dma_wait3A_45 : memref<10240xf32, #tpu.memory_space<vmem_shared>>)
          tpu.yield
        }) : () -> ()
      }
      %scan3A_29 = arith.constant 110 : i32
      %scan3A_30 = arith.constant 0 : i32
      %scan3A_31 = arith.constant 0 : i32
      %scan3A_32 = arith.constant 48 : i32
      %scan3A_33 = arith.addi %scan3A_31, %scan3A_32 : i32
      %scan3A_34 = arith.constant 1 : i32
      scf.for %scan3A_36 = %scan3A_31 to %scan3A_33 step %scan3A_34  : i32 {
        %run_scoped3A = arith.constant 1 : i32
        "tpu.region"() ({
          %run_scoped3A_37 = tpu.sem_alloc : memref<!tpu.dma_semaphore, #tpu.memory_space<semaphore_mem>>
          %dma_start3A = arith.constant 0 : i32
          %dma_start3A_38 = tpu.memref_slice %arg4[%run_scoped3A, %scan3A_36, %dma_start3A] : memref<2x110x128xi32, #tpu.memory_space<vmem>> -> memref<1x1x128xi32, #tpu.memory_space<vmem>>
          %dma_start3A_39 = tpu.memref_squeeze %dma_start3A_38 : memref<1x1x128xi32, #tpu.memory_space<vmem>> -> memref<128xi32, #tpu.memory_space<vmem>>
          %dma_start3A_40 = arith.constant 0 : i32
          %dma_start3A_41 = tpu.memref_slice %arg7[%dma_start3A_40] : memref<10240xf32, #tpu.memory_space<vmem_shared>> -> memref<10240xf32, #tpu.memory_space<vmem_shared>>
          tpu.enqueue_indirect_dma source(%arg5 : memref<128xf32, #tpu.memory_space<vmem>>) target(%dma_start3A_41 : memref<10240xf32, #tpu.memory_space<vmem_shared>>) offsets(%dma_start3A_39 : memref<128xi32, #tpu.memory_space<vmem>>) semaphore(%run_scoped3A_37 : memref<!tpu.dma_semaphore, #tpu.memory_space<semaphore_mem>>) {add = true}
          %dma_wait3A = arith.constant 0 : i32
          %dma_wait3A_42 = tpu.memref_slice %arg4[%run_scoped3A, %scan3A_36, %dma_wait3A] : memref<2x110x128xi32, #tpu.memory_space<vmem>> -> memref<1x1x128xi32, #tpu.memory_space<vmem>>
          %dma_wait3A_43 = tpu.memref_squeeze %dma_wait3A_42 : memref<1x1x128xi32, #tpu.memory_space<vmem>> -> memref<128xi32, #tpu.memory_space<vmem>>
          %dma_wait3A_44 = arith.constant 0 : i32
          %dma_wait3A_45 = tpu.memref_slice %arg7[%dma_wait3A_44] : memref<10240xf32, #tpu.memory_space<vmem_shared>> -> memref<10240xf32, #tpu.memory_space<vmem_shared>>
          tpu.wait_indirect_dma semaphore(%run_scoped3A_37 : memref<!tpu.dma_semaphore, #tpu.memory_space<semaphore_mem>>) src(%arg5 : memref<128xf32, #tpu.memory_space<vmem>>) dst(%dma_wait3A_45 : memref<10240xf32, #tpu.memory_space<vmem_shared>>)
          tpu.yield
        }) : () -> ()
      }
      %scan3A_35 = arith.constant 48 : i32
    } else {
    }
    %barrier3A_19 = arith.constant 0 : index
    tpu.barrier barrier_id(%barrier3A_19)
    %mul3A_20 = arith.constant 640 : i32
    %mul3A_21 = arith.muli %arg1, %mul3A_20 : i32
    %mul3A_22 = arith.constant 640 : i32
    %mul3A_23 = arith.muli %arg1, %mul3A_22 : i32
    "tpu.region"() ({
      %run_scoped3A = tpu.sem_alloc : memref<!tpu.dma_semaphore, #tpu.memory_space<semaphore_mem>>
      %dma_start3A = tpu.memref_slice %arg3[%arg0, %mul3A_23] : memref<2x10240xf32, #tpu.memory_space<hbm>> -> memref<1x640xf32, #tpu.memory_space<hbm>>
      %dma_start3A_24 = tpu.memref_squeeze %dma_start3A : memref<1x640xf32, #tpu.memory_space<hbm>> -> memref<640xf32, #tpu.memory_space<hbm>>
      %dma_start3A_25 = tpu.memref_slice %arg7[%mul3A_21] : memref<10240xf32, #tpu.memory_space<vmem_shared>> -> memref<640xf32, #tpu.memory_space<vmem_shared>>
      tpu.enqueue_dma source(%dma_start3A_25 : memref<640xf32, #tpu.memory_space<vmem_shared>>) target(%dma_start3A_24 : memref<640xf32, #tpu.memory_space<hbm>>) target_semaphore(%run_scoped3A : memref<!tpu.dma_semaphore, #tpu.memory_space<semaphore_mem>>)
      %dma_wait3A = tpu.memref_slice %arg3[%arg0, %mul3A_23] : memref<2x10240xf32, #tpu.memory_space<hbm>> -> memref<1x640xf32, #tpu.memory_space<hbm>>
      %dma_wait3A_26 = tpu.memref_squeeze %dma_wait3A : memref<1x640xf32, #tpu.memory_space<hbm>> -> memref<640xf32, #tpu.memory_space<hbm>>
      %dma_wait3A_27 = tpu.memref_slice %arg7[%mul3A_21] : memref<10240xf32, #tpu.memory_space<vmem_shared>> -> memref<640xf32, #tpu.memory_space<vmem_shared>>
      tpu.wait_dma2 semaphore(%run_scoped3A : memref<!tpu.dma_semaphore, #tpu.memory_space<semaphore_mem>>) src(%dma_wait3A_27 : memref<640xf32, #tpu.memory_space<vmem_shared>>) dst(%dma_wait3A_26 : memref<640xf32, #tpu.memory_space<hbm>>)
      tpu.yield
    }) : () -> ()
    return
  }
}

#map = affine_map<(d0, d1) -> (0, 0)>
#map1 = affine_map<(d0, d1) -> (0, 0, 0, 0)>
#map2 = affine_map<(d0, d1) -> (0, 0, 0)>
module attributes {stable_mosaic.version = 14 : i64} {
  func.func @body(%arg0: i32, %arg1: i32, %arg2: memref<10000x128xf32, #tpu.memory_space<hbm>>, %arg3: memref<2x16x110x128xi32, #tpu.memory_space<hbm>>, %arg4: memref<2x16x110x128xi32, #tpu.memory_space<hbm>>, %arg5: memref<2x10240x128xf32, #tpu.memory_space<hbm>>, %arg6: memref<110x128xi32, #tpu.memory_space<vmem>>, %arg7: memref<110x128xi32, #tpu.memory_space<vmem>>, %arg8: memref<128x128xf32, #tpu.memory_space<vmem>>, %arg9: memref<10240x128xf32, #tpu.memory_space<vmem_shared>>, %arg10: memref<!tpu.dma_semaphore, #tpu.memory_space<semaphore_mem>>) attributes {dimension_semantics = [#tpu.dimension_semantics<core_parallel>, #tpu.dimension_semantics<subcore_parallel>], iteration_bounds = array<i64: 2, 16>, scalar_prefetch = 0 : i64, scratch_operands = 5 : i64, tpu.core_type = #tpu.core_type<sc_vector_subcore>, window_params = [{transform_indices = #map}, {transform_indices = #map1}, {transform_indices = #map1}, {transform_indices = #map2}]} {
    %eq3A = arith.constant 0 : i32
    %eq3A_0 = arith.cmpi eq, %arg0, %eq3A : i32
    %jit3A = arith.constant 110 : i32
    %jit3A_1 = arith.constant 48 : i32
    %select_n3A = arith.select %eq3A_0, %jit3A, %jit3A_1 : i32
    %scan3A = arith.constant 0 : i32
    %scan3A_2 = arith.constant 0 : i32
    %scan3A_3 = arith.constant 1024 : i32
    %scan3A_4 = arith.addi %scan3A_2, %scan3A_3 : i32
    %scan3A_5 = arith.constant 1 : i32
    scf.for %scan3A_26 = %scan3A_2 to %scan3A_4 step %scan3A_5  : i32 {
      %jit3A_27 = arith.constant 8 : i32
      %div3A = arith.divsi %scan3A_26, %jit3A_27 : i32
      %sign3A = arith.constant 0 : i32
      %sign3A_28 = arith.cmpi sgt, %scan3A_26, %sign3A : i32
      %sign3A_29 = arith.extui %sign3A_28 : i1 to i32
      %sign3A_30 = arith.constant 0 : i32
      %sign3A_31 = arith.cmpi slt, %scan3A_26, %sign3A_30 : i32
      %sign3A_32 = arith.extui %sign3A_31 : i1 to i32
      %sign3A_33 = arith.subi %sign3A_29, %sign3A_32 : i32
      %sign3A_34 = arith.constant 0 : i32
      %sign3A_35 = arith.cmpi sgt, %jit3A_27, %sign3A_34 : i32
      %sign3A_36 = arith.extui %sign3A_35 : i1 to i32
      %sign3A_37 = arith.constant 0 : i32
      %sign3A_38 = arith.cmpi slt, %jit3A_27, %sign3A_37 : i32
      %sign3A_39 = arith.extui %sign3A_38 : i1 to i32
      %sign3A_40 = arith.subi %sign3A_36, %sign3A_39 : i32
      %ne3A = arith.cmpi ne, %sign3A_33, %sign3A_40 : i32
      %rem3A = arith.remsi %scan3A_26, %jit3A_27 : i32
      %ne3A_41 = arith.constant 0 : i32
      %ne3A_42 = arith.cmpi ne, %rem3A, %ne3A_41 : i32
      %and3A = arith.andi %ne3A, %ne3A_42 : i1
      %sub3A = arith.constant 1 : i32
      %sub3A_43 = arith.subi %div3A, %sub3A : i32
      %select_n3A_44 = arith.select %and3A, %sub3A_43, %div3A : i32
      %jit3A_45 = arith.constant 8 : i32
      %eq3A_46 = arith.constant 0 : i32
      %eq3A_47 = arith.cmpi eq, %jit3A_45, %eq3A_46 : i32
      %jit3A_48 = arith.constant 1 : i32
      %select_n3A_49 = arith.select %eq3A_47, %jit3A_48, %jit3A_45 : i32
      %rem3A_50 = arith.remsi %scan3A_26, %select_n3A_49 : i32
      %ne3A_51 = arith.constant 0 : i32
      %ne3A_52 = arith.cmpi ne, %rem3A_50, %ne3A_51 : i32
      %lt3A = arith.constant 0 : i32
      %lt3A_53 = arith.cmpi slt, %rem3A_50, %lt3A : i32
      %lt3A_54 = arith.constant 0 : i32
      %lt3A_55 = arith.cmpi slt, %select_n3A_49, %lt3A_54 : i32
      %ne3A_56 = arith.xori %lt3A_53, %lt3A_55 : i1
      %and3A_57 = arith.andi %ne3A_56, %ne3A_52 : i1
      %add3A = arith.addi %rem3A_50, %select_n3A_49 : i32
      %select_n3A_58 = arith.select %and3A_57, %add3A, %rem3A_50 : i32
      %broadcast_in_dim3A = arith.constant 0.000000e+00 : f32
      %broadcast_in_dim3A_59 = vector.broadcast %broadcast_in_dim3A : f32 to vector<16xf32>
      %mul3A_60 = arith.constant 16 : i32
      %mul3A_61 = arith.muli %select_n3A_58, %mul3A_60 : i32
      %swap3A = arith.index_cast %select_n3A_44 : i32 to index
      %swap3A_62 = arith.index_cast %mul3A_61 : i32 to index
      %swap3A_63 = tpu.vector_load %arg8[%swap3A, %swap3A_62] {strides = array<i32>} : memref<128x128xf32, #tpu.memory_space<vmem>>, vector<1x16xf32>,
      %swap3A_64 = vector.shape_cast %swap3A_63 : vector<1x16xf32> to vector<16xf32>
      %swap3A_65 = vector.shape_cast %broadcast_in_dim3A_59 : vector<16xf32> to vector<1x16xf32>
      tpu.vector_store %arg8[%swap3A, %swap3A_62], %swap3A_65 {strides = array<i32>} : memref<128x128xf32, #tpu.memory_space<vmem>>, vector<1x16xf32>,
    }
    %scan3A_6 = arith.constant 1024 : i32
    "tpu.region"() ({
      %run_scoped3A = tpu.sem_alloc : memref<!tpu.dma_semaphore, #tpu.memory_space<semaphore_mem>>
      %dma_start3A = arith.constant 0 : i32
      %dma_start3A_26 = arith.constant 0 : i32
      %dma_start3A_27 = tpu.memref_slice %arg3[%arg0, %arg1, %dma_start3A, %dma_start3A_26] : memref<2x16x110x128xi32, #tpu.memory_space<hbm>> -> memref<1x1x110x128xi32, #tpu.memory_space<hbm>>
      %dma_start3A_28 = tpu.memref_squeeze %dma_start3A_27 : memref<1x1x110x128xi32, #tpu.memory_space<hbm>> -> memref<110x128xi32, #tpu.memory_space<hbm>>
      %dma_start3A_29 = arith.constant 0 : i32
      %dma_start3A_30 = arith.constant 0 : i32
      %dma_start3A_31 = tpu.memref_slice %arg3[%arg0, %arg1, %dma_start3A_29, %dma_start3A_30] : memref<2x16x110x128xi32, #tpu.memory_space<hbm>> -> memref<1x1x110x128xi32, #tpu.memory_space<hbm>>
      %dma_start3A_32 = tpu.memref_squeeze %dma_start3A_31 : memref<1x1x110x128xi32, #tpu.memory_space<hbm>> -> memref<110x128xi32, #tpu.memory_space<hbm>>
      tpu.enqueue_dma source(%dma_start3A_32 : memref<110x128xi32, #tpu.memory_space<hbm>>) target(%arg6 : memref<110x128xi32, #tpu.memory_space<vmem>>) target_semaphore(%run_scoped3A : memref<!tpu.dma_semaphore, #tpu.memory_space<semaphore_mem>>)
      %dma_wait3A = arith.constant 0 : i32
      %dma_wait3A_33 = arith.constant 0 : i32
      %dma_wait3A_34 = tpu.memref_slice %arg3[%arg0, %arg1, %dma_wait3A, %dma_wait3A_33] : memref<2x16x110x128xi32, #tpu.memory_space<hbm>> -> memref<1x1x110x128xi32, #tpu.memory_space<hbm>>
      %dma_wait3A_35 = tpu.memref_squeeze %dma_wait3A_34 : memref<1x1x110x128xi32, #tpu.memory_space<hbm>> -> memref<110x128xi32, #tpu.memory_space<hbm>>
      %dma_wait3A_36 = arith.constant 0 : i32
      %dma_wait3A_37 = arith.constant 0 : i32
      %dma_wait3A_38 = tpu.memref_slice %arg3[%arg0, %arg1, %dma_wait3A_36, %dma_wait3A_37] : memref<2x16x110x128xi32, #tpu.memory_space<hbm>> -> memref<1x1x110x128xi32, #tpu.memory_space<hbm>>
      %dma_wait3A_39 = tpu.memref_squeeze %dma_wait3A_38 : memref<1x1x110x128xi32, #tpu.memory_space<hbm>> -> memref<110x128xi32, #tpu.memory_space<hbm>>
      tpu.wait_dma2 semaphore(%run_scoped3A : memref<!tpu.dma_semaphore, #tpu.memory_space<semaphore_mem>>) src(%dma_wait3A_39 : memref<110x128xi32, #tpu.memory_space<hbm>>) dst(%arg6 : memref<110x128xi32, #tpu.memory_space<vmem>>)
      tpu.yield
    }) : () -> ()
    "tpu.region"() ({
      %run_scoped3A = tpu.sem_alloc : memref<!tpu.dma_semaphore, #tpu.memory_space<semaphore_mem>>
      %dma_start3A = arith.constant 0 : i32
      %dma_start3A_26 = arith.constant 0 : i32
      %dma_start3A_27 = tpu.memref_slice %arg4[%arg0, %arg1, %dma_start3A, %dma_start3A_26] : memref<2x16x110x128xi32, #tpu.memory_space<hbm>> -> memref<1x1x110x128xi32, #tpu.memory_space<hbm>>
      %dma_start3A_28 = tpu.memref_squeeze %dma_start3A_27 : memref<1x1x110x128xi32, #tpu.memory_space<hbm>> -> memref<110x128xi32, #tpu.memory_space<hbm>>
      %dma_start3A_29 = arith.constant 0 : i32
      %dma_start3A_30 = arith.constant 0 : i32
      %dma_start3A_31 = tpu.memref_slice %arg4[%arg0, %arg1, %dma_start3A_29, %dma_start3A_30] : memref<2x16x110x128xi32, #tpu.memory_space<hbm>> -> memref<1x1x110x128xi32, #tpu.memory_space<hbm>>
      %dma_start3A_32 = tpu.memref_squeeze %dma_start3A_31 : memref<1x1x110x128xi32, #tpu.memory_space<hbm>> -> memref<110x128xi32, #tpu.memory_space<hbm>>
      tpu.enqueue_dma source(%dma_start3A_32 : memref<110x128xi32, #tpu.memory_space<hbm>>) target(%arg7 : memref<110x128xi32, #tpu.memory_space<vmem>>) target_semaphore(%run_scoped3A : memref<!tpu.dma_semaphore, #tpu.memory_space<semaphore_mem>>)
      %dma_wait3A = arith.constant 0 : i32
      %dma_wait3A_33 = arith.constant 0 : i32
      %dma_wait3A_34 = tpu.memref_slice %arg4[%arg0, %arg1, %dma_wait3A, %dma_wait3A_33] : memref<2x16x110x128xi32, #tpu.memory_space<hbm>> -> memref<1x1x110x128xi32, #tpu.memory_space<hbm>>
      %dma_wait3A_35 = tpu.memref_squeeze %dma_wait3A_34 : memref<1x1x110x128xi32, #tpu.memory_space<hbm>> -> memref<110x128xi32, #tpu.memory_space<hbm>>
      %dma_wait3A_36 = arith.constant 0 : i32
      %dma_wait3A_37 = arith.constant 0 : i32
      %dma_wait3A_38 = tpu.memref_slice %arg4[%arg0, %arg1, %dma_wait3A_36, %dma_wait3A_37] : memref<2x16x110x128xi32, #tpu.memory_space<hbm>> -> memref<1x1x110x128xi32, #tpu.memory_space<hbm>>
      %dma_wait3A_39 = tpu.memref_squeeze %dma_wait3A_38 : memref<1x1x110x128xi32, #tpu.memory_space<hbm>> -> memref<110x128xi32, #tpu.memory_space<hbm>>
      tpu.wait_dma2 semaphore(%run_scoped3A : memref<!tpu.dma_semaphore, #tpu.memory_space<semaphore_mem>>) src(%dma_wait3A_39 : memref<110x128xi32, #tpu.memory_space<hbm>>) dst(%arg7 : memref<110x128xi32, #tpu.memory_space<vmem>>)
      tpu.yield
    }) : () -> ()
    %scan3A_7 = arith.constant 0 : i32
    %scan3A_8 = arith.constant 0 : i32
    %scan3A_9 = arith.constant 5 : i32
    %scan3A_10 = arith.addi %scan3A_8, %scan3A_9 : i32
    %scan3A_11 = arith.constant 1 : i32
    scf.for %scan3A_26 = %scan3A_8 to %scan3A_10 step %scan3A_11  : i32 {
      %mul3A_27 = arith.constant 640 : i32
      %mul3A_28 = arith.muli %arg1, %mul3A_27 : i32
      %mul3A_29 = arith.constant 128 : i32
      %mul3A_30 = arith.muli %scan3A_26, %mul3A_29 : i32
      %add3A = arith.addi %mul3A_28, %mul3A_30 : i32
      "tpu.region"() ({
        %run_scoped3A = tpu.sem_alloc : memref<!tpu.dma_semaphore, #tpu.memory_space<semaphore_mem>>
        %dma_start3A = arith.constant 0 : i32
        %dma_start3A_31 = tpu.memref_slice %arg9[%add3A, %dma_start3A] : memref<10240x128xf32, #tpu.memory_space<vmem_shared>> -> memref<128x128xf32, #tpu.memory_space<vmem_shared>>
        %dma_start3A_32 = arith.constant 0 : i32
        %dma_start3A_33 = tpu.memref_slice %arg9[%add3A, %dma_start3A_32] : memref<10240x128xf32, #tpu.memory_space<vmem_shared>> -> memref<128x128xf32, #tpu.memory_space<vmem_shared>>
        tpu.enqueue_dma source(%arg8 : memref<128x128xf32, #tpu.memory_space<vmem>>) target(%dma_start3A_33 : memref<128x128xf32, #tpu.memory_space<vmem_shared>>) target_semaphore(%run_scoped3A : memref<!tpu.dma_semaphore, #tpu.memory_space<semaphore_mem>>)
        %dma_wait3A = arith.constant 0 : i32
        %dma_wait3A_34 = tpu.memref_slice %arg9[%add3A, %dma_wait3A] : memref<10240x128xf32, #tpu.memory_space<vmem_shared>> -> memref<128x128xf32, #tpu.memory_space<vmem_shared>>
        %dma_wait3A_35 = arith.constant 0 : i32
        %dma_wait3A_36 = tpu.memref_slice %arg9[%add3A, %dma_wait3A_35] : memref<10240x128xf32, #tpu.memory_space<vmem_shared>> -> memref<128x128xf32, #tpu.memory_space<vmem_shared>>
        tpu.wait_dma2 semaphore(%run_scoped3A : memref<!tpu.dma_semaphore, #tpu.memory_space<semaphore_mem>>) src(%arg8 : memref<128x128xf32, #tpu.memory_space<vmem>>) dst(%dma_wait3A_36 : memref<128x128xf32, #tpu.memory_space<vmem_shared>>)
        tpu.yield
      }) : () -> ()
    }
    %scan3A_12 = arith.constant 5 : i32
    %barrier3A = arith.constant 0 : index
    tpu.barrier barrier_id(%barrier3A)
    %while3A = arith.constant 0 : i32
    %while3A_13 = arith.constant 0 : i32
    %while3A_14 = arith.subi %select_n3A, %while3A_13 : i32
    %while3A_15 = arith.addi %while3A_13, %while3A_14 : i32
    %while3A_16 = arith.constant 1 : i32
    %while3A_17 = arith.divsi %while3A_14, %while3A_16 : i32
    %while3A_18 = arith.muli %while3A_17, %while3A_16 : i32
    %while3A_19 = arith.addi %while3A_13, %while3A_18 : i32
    %while3A_20 = arith.constant 1 : i32
    scf.for %while3A_26 = %while3A_13 to %while3A_19 step %while3A_20  : i32 {
      %dma_start3A = arith.constant 0 : i32
      %dma_start3A_27 = tpu.memref_slice %arg6[%while3A_26, %dma_start3A] : memref<110x128xi32, #tpu.memory_space<vmem>> -> memref<1x128xi32, #tpu.memory_space<vmem>>
      %dma_start3A_28 = tpu.memref_squeeze %dma_start3A_27 : memref<1x128xi32, #tpu.memory_space<vmem>> -> memref<128xi32, #tpu.memory_space<vmem>>
      %dma_start3A_29 = arith.constant 0 : i32
      %dma_start3A_30 = arith.constant 0 : i32
      %dma_start3A_31 = tpu.memref_slice %arg2[%dma_start3A_29, %dma_start3A_30] : memref<10000x128xf32, #tpu.memory_space<hbm>> -> memref<10000x128xf32, #tpu.memory_space<hbm>>
      tpu.enqueue_indirect_dma source(%dma_start3A_31 : memref<10000x128xf32, #tpu.memory_space<hbm>>) target(%arg8 : memref<128x128xf32, #tpu.memory_space<vmem>>) offsets(%dma_start3A_28 : memref<128xi32, #tpu.memory_space<vmem>>) semaphore(%arg10 : memref<!tpu.dma_semaphore, #tpu.memory_space<semaphore_mem>>)
      %dma_wait3A = arith.constant 0 : i32
      %dma_wait3A_32 = tpu.memref_slice %arg6[%while3A_26, %dma_wait3A] : memref<110x128xi32, #tpu.memory_space<vmem>> -> memref<1x128xi32, #tpu.memory_space<vmem>>
      %dma_wait3A_33 = tpu.memref_squeeze %dma_wait3A_32 : memref<1x128xi32, #tpu.memory_space<vmem>> -> memref<128xi32, #tpu.memory_space<vmem>>
      %dma_wait3A_34 = arith.constant 0 : i32
      %dma_wait3A_35 = arith.constant 0 : i32
      %dma_wait3A_36 = tpu.memref_slice %arg2[%dma_wait3A_34, %dma_wait3A_35] : memref<10000x128xf32, #tpu.memory_space<hbm>> -> memref<10000x128xf32, #tpu.memory_space<hbm>>
      tpu.wait_indirect_dma semaphore(%arg10 : memref<!tpu.dma_semaphore, #tpu.memory_space<semaphore_mem>>) src(%dma_wait3A_36 : memref<10000x128xf32, #tpu.memory_space<hbm>>) dst(%arg8 : memref<128x128xf32, #tpu.memory_space<vmem>>)
      "tpu.region"() ({
        %run_scoped3A = tpu.sem_alloc : memref<!tpu.dma_semaphore, #tpu.memory_space<semaphore_mem>>
        %dma_start3A_37 = arith.constant 0 : i32
        %dma_start3A_38 = tpu.memref_slice %arg7[%while3A_26, %dma_start3A_37] : memref<110x128xi32, #tpu.memory_space<vmem>> -> memref<1x128xi32, #tpu.memory_space<vmem>>
        %dma_start3A_39 = tpu.memref_squeeze %dma_start3A_38 : memref<1x128xi32, #tpu.memory_space<vmem>> -> memref<128xi32, #tpu.memory_space<vmem>>
        %dma_start3A_40 = arith.constant 0 : i32
        %dma_start3A_41 = arith.constant 0 : i32
        %dma_start3A_42 = tpu.memref_slice %arg9[%dma_start3A_40, %dma_start3A_41] : memref<10240x128xf32, #tpu.memory_space<vmem_shared>> -> memref<10240x128xf32, #tpu.memory_space<vmem_shared>>
        tpu.enqueue_indirect_dma source(%arg8 : memref<128x128xf32, #tpu.memory_space<vmem>>) target(%dma_start3A_42 : memref<10240x128xf32, #tpu.memory_space<vmem_shared>>) offsets(%dma_start3A_39 : memref<128xi32, #tpu.memory_space<vmem>>) semaphore(%run_scoped3A : memref<!tpu.dma_semaphore, #tpu.memory_space<semaphore_mem>>) {add = true}
        %dma_wait3A_43 = arith.constant 0 : i32
        %dma_wait3A_44 = tpu.memref_slice %arg7[%while3A_26, %dma_wait3A_43] : memref<110x128xi32, #tpu.memory_space<vmem>> -> memref<1x128xi32, #tpu.memory_space<vmem>>
        %dma_wait3A_45 = tpu.memref_squeeze %dma_wait3A_44 : memref<1x128xi32, #tpu.memory_space<vmem>> -> memref<128xi32, #tpu.memory_space<vmem>>
        %dma_wait3A_46 = arith.constant 0 : i32
        %dma_wait3A_47 = arith.constant 0 : i32
        %dma_wait3A_48 = tpu.memref_slice %arg9[%dma_wait3A_46, %dma_wait3A_47] : memref<10240x128xf32, #tpu.memory_space<vmem_shared>> -> memref<10240x128xf32, #tpu.memory_space<vmem_shared>>
        tpu.wait_indirect_dma semaphore(%run_scoped3A : memref<!tpu.dma_semaphore, #tpu.memory_space<semaphore_mem>>) src(%arg8 : memref<128x128xf32, #tpu.memory_space<vmem>>) dst(%dma_wait3A_48 : memref<10240x128xf32, #tpu.memory_space<vmem_shared>>)
        tpu.yield
      }) : () -> ()
    }
    %while3A_21 = arith.constant 1 : i32
    scf.for %while3A_26 = %while3A_19 to %while3A_15 step %while3A_21  : i32 {
      %dma_start3A = arith.constant 0 : i32
      %dma_start3A_27 = tpu.memref_slice %arg6[%while3A_26, %dma_start3A] : memref<110x128xi32, #tpu.memory_space<vmem>> -> memref<1x128xi32, #tpu.memory_space<vmem>>
      %dma_start3A_28 = tpu.memref_squeeze %dma_start3A_27 : memref<1x128xi32, #tpu.memory_space<vmem>> -> memref<128xi32, #tpu.memory_space<vmem>>
      %dma_start3A_29 = arith.constant 0 : i32
      %dma_start3A_30 = arith.constant 0 : i32
      %dma_start3A_31 = tpu.memref_slice %arg2[%dma_start3A_29, %dma_start3A_30] : memref<10000x128xf32, #tpu.memory_space<hbm>> -> memref<10000x128xf32, #tpu.memory_space<hbm>>
      tpu.enqueue_indirect_dma source(%dma_start3A_31 : memref<10000x128xf32, #tpu.memory_space<hbm>>) target(%arg8 : memref<128x128xf32, #tpu.memory_space<vmem>>) offsets(%dma_start3A_28 : memref<128xi32, #tpu.memory_space<vmem>>) semaphore(%arg10 : memref<!tpu.dma_semaphore, #tpu.memory_space<semaphore_mem>>)
      %dma_wait3A = arith.constant 0 : i32
      %dma_wait3A_32 = tpu.memref_slice %arg6[%while3A_26, %dma_wait3A] : memref<110x128xi32, #tpu.memory_space<vmem>> -> memref<1x128xi32, #tpu.memory_space<vmem>>
      %dma_wait3A_33 = tpu.memref_squeeze %dma_wait3A_32 : memref<1x128xi32, #tpu.memory_space<vmem>> -> memref<128xi32, #tpu.memory_space<vmem>>
      %dma_wait3A_34 = arith.constant 0 : i32
      %dma_wait3A_35 = arith.constant 0 : i32
      %dma_wait3A_36 = tpu.memref_slice %arg2[%dma_wait3A_34, %dma_wait3A_35] : memref<10000x128xf32, #tpu.memory_space<hbm>> -> memref<10000x128xf32, #tpu.memory_space<hbm>>
      tpu.wait_indirect_dma semaphore(%arg10 : memref<!tpu.dma_semaphore, #tpu.memory_space<semaphore_mem>>) src(%dma_wait3A_36 : memref<10000x128xf32, #tpu.memory_space<hbm>>) dst(%arg8 : memref<128x128xf32, #tpu.memory_space<vmem>>)
      "tpu.region"() ({
        %run_scoped3A = tpu.sem_alloc : memref<!tpu.dma_semaphore, #tpu.memory_space<semaphore_mem>>
        %dma_start3A_37 = arith.constant 0 : i32
        %dma_start3A_38 = tpu.memref_slice %arg7[%while3A_26, %dma_start3A_37] : memref<110x128xi32, #tpu.memory_space<vmem>> -> memref<1x128xi32, #tpu.memory_space<vmem>>
        %dma_start3A_39 = tpu.memref_squeeze %dma_start3A_38 : memref<1x128xi32, #tpu.memory_space<vmem>> -> memref<128xi32, #tpu.memory_space<vmem>>
        %dma_start3A_40 = arith.constant 0 : i32
        %dma_start3A_41 = arith.constant 0 : i32
        %dma_start3A_42 = tpu.memref_slice %arg9[%dma_start3A_40, %dma_start3A_41] : memref<10240x128xf32, #tpu.memory_space<vmem_shared>> -> memref<10240x128xf32, #tpu.memory_space<vmem_shared>>
        tpu.enqueue_indirect_dma source(%arg8 : memref<128x128xf32, #tpu.memory_space<vmem>>) target(%dma_start3A_42 : memref<10240x128xf32, #tpu.memory_space<vmem_shared>>) offsets(%dma_start3A_39 : memref<128xi32, #tpu.memory_space<vmem>>) semaphore(%run_scoped3A : memref<!tpu.dma_semaphore, #tpu.memory_space<semaphore_mem>>) {add = true}
        %dma_wait3A_43 = arith.constant 0 : i32
        %dma_wait3A_44 = tpu.memref_slice %arg7[%while3A_26, %dma_wait3A_43] : memref<110x128xi32, #tpu.memory_space<vmem>> -> memref<1x128xi32, #tpu.memory_space<vmem>>
        %dma_wait3A_45 = tpu.memref_squeeze %dma_wait3A_44 : memref<1x128xi32, #tpu.memory_space<vmem>> -> memref<128xi32, #tpu.memory_space<vmem>>
        %dma_wait3A_46 = arith.constant 0 : i32
        %dma_wait3A_47 = arith.constant 0 : i32
        %dma_wait3A_48 = tpu.memref_slice %arg9[%dma_wait3A_46, %dma_wait3A_47] : memref<10240x128xf32, #tpu.memory_space<vmem_shared>> -> memref<10240x128xf32, #tpu.memory_space<vmem_shared>>
        tpu.wait_indirect_dma semaphore(%run_scoped3A : memref<!tpu.dma_semaphore, #tpu.memory_space<semaphore_mem>>) src(%arg8 : memref<128x128xf32, #tpu.memory_space<vmem>>) dst(%dma_wait3A_48 : memref<10240x128xf32, #tpu.memory_space<vmem_shared>>)
        tpu.yield
      }) : () -> ()
    }
    %barrier3A_22 = arith.constant 0 : index
    tpu.barrier barrier_id(%barrier3A_22)
    %mul3A = arith.constant 640 : i32
    %mul3A_23 = arith.muli %arg1, %mul3A : i32
    %mul3A_24 = arith.constant 640 : i32
    %mul3A_25 = arith.muli %arg1, %mul3A_24 : i32
    "tpu.region"() ({
      %run_scoped3A = tpu.sem_alloc : memref<!tpu.dma_semaphore, #tpu.memory_space<semaphore_mem>>
      %dma_start3A = arith.constant 0 : i32
      %dma_start3A_26 = tpu.memref_slice %arg5[%arg0, %mul3A_25, %dma_start3A] : memref<2x10240x128xf32, #tpu.memory_space<hbm>> -> memref<1x640x128xf32, #tpu.memory_space<hbm>>
      %dma_start3A_27 = tpu.memref_squeeze %dma_start3A_26 : memref<1x640x128xf32, #tpu.memory_space<hbm>> -> memref<640x128xf32, #tpu.memory_space<hbm>>
      %dma_start3A_28 = arith.constant 0 : i32
      %dma_start3A_29 = tpu.memref_slice %arg9[%mul3A_23, %dma_start3A_28] : memref<10240x128xf32, #tpu.memory_space<vmem_shared>> -> memref<640x128xf32, #tpu.memory_space<vmem_shared>>
      tpu.enqueue_dma source(%dma_start3A_29 : memref<640x128xf32, #tpu.memory_space<vmem_shared>>) target(%dma_start3A_27 : memref<640x128xf32, #tpu.memory_space<hbm>>) target_semaphore(%run_scoped3A : memref<!tpu.dma_semaphore, #tpu.memory_space<semaphore_mem>>)
      %dma_wait3A = arith.constant 0 : i32
      %dma_wait3A_30 = tpu.memref_slice %arg5[%arg0, %mul3A_25, %dma_wait3A] : memref<2x10240x128xf32, #tpu.memory_space<hbm>> -> memref<1x640x128xf32, #tpu.memory_space<hbm>>
      %dma_wait3A_31 = tpu.memref_squeeze %dma_wait3A_30 : memref<1x640x128xf32, #tpu.memory_space<hbm>> -> memref<640x128xf32, #tpu.memory_space<hbm>>
      %dma_wait3A_32 = arith.constant 0 : i32
      %dma_wait3A_33 = tpu.memref_slice %arg9[%mul3A_23, %dma_wait3A_32] : memref<10240x128xf32, #tpu.memory_space<vmem_shared>> -> memref<640x128xf32, #tpu.memory_space<vmem_shared>>
      tpu.wait_dma2 semaphore(%run_scoped3A : memref<!tpu.dma_semaphore, #tpu.memory_space<semaphore_mem>>) src(%dma_wait3A_33 : memref<640x128xf32, #tpu.memory_space<vmem_shared>>) dst(%dma_wait3A_31 : memref<640x128xf32, #tpu.memory_space<hbm>>)
      tpu.yield
    }) : () -> ()
    return
  }
}

#map = affine_map<(d0, d1) -> (0, 0)>
#map1 = affine_map<(d0, d1) -> (0, 0, 0, 0)>
#map2 = affine_map<(d0, d1) -> (0, 0, 0)>
module attributes {stable_mosaic.version = 14 : i64} {
  func.func @body(%arg0: i32, %arg1: i32, %arg2: memref<10000x128xf32, #tpu.memory_space<hbm>>, %arg3: memref<2x16x118x128xi32, #tpu.memory_space<hbm>>, %arg4: memref<2x16x118x128xi32, #tpu.memory_space<hbm>>, %arg5: memref<2x10240x128xf32, #tpu.memory_space<hbm>>, %arg6: memref<118x128xi32, #tpu.memory_space<vmem>>, %arg7: memref<118x128xi32, #tpu.memory_space<vmem>>, %arg8: memref<128x128xf32, #tpu.memory_space<vmem>>, %arg9: memref<10240x128xf32, #tpu.memory_space<vmem_shared>>, %arg10: memref<!tpu.dma_semaphore, #tpu.memory_space<semaphore_mem>>) attributes {dimension_semantics = [#tpu.dimension_semantics<core_parallel>, #tpu.dimension_semantics<subcore_parallel>], iteration_bounds = array<i64: 2, 16>, scalar_prefetch = 0 : i64, scratch_operands = 5 : i64, tpu.core_type = #tpu.core_type<sc_vector_subcore>, window_params = [{transform_indices = #map}, {transform_indices = #map1}, {transform_indices = #map1}, {transform_indices = #map2}]} {
    %eq3A = arith.constant 0 : i32
    %eq3A_0 = arith.cmpi eq, %arg0, %eq3A : i32
    %jit3A = arith.constant 118 : i32
    %jit3A_1 = arith.constant 40 : i32
    %select_n3A = arith.select %eq3A_0, %jit3A, %jit3A_1 : i32
    %scan3A = arith.constant 0 : i32
    %scan3A_2 = arith.constant 0 : i32
    %scan3A_3 = arith.constant 1024 : i32
    %scan3A_4 = arith.addi %scan3A_2, %scan3A_3 : i32
    %scan3A_5 = arith.constant 1 : i32
    scf.for %scan3A_26 = %scan3A_2 to %scan3A_4 step %scan3A_5  : i32 {
      %jit3A_27 = arith.constant 8 : i32
      %div3A = arith.divsi %scan3A_26, %jit3A_27 : i32
      %sign3A = arith.constant 0 : i32
      %sign3A_28 = arith.cmpi sgt, %scan3A_26, %sign3A : i32
      %sign3A_29 = arith.extui %sign3A_28 : i1 to i32
      %sign3A_30 = arith.constant 0 : i32
      %sign3A_31 = arith.cmpi slt, %scan3A_26, %sign3A_30 : i32
      %sign3A_32 = arith.extui %sign3A_31 : i1 to i32
      %sign3A_33 = arith.subi %sign3A_29, %sign3A_32 : i32
      %sign3A_34 = arith.constant 0 : i32
      %sign3A_35 = arith.cmpi sgt, %jit3A_27, %sign3A_34 : i32
      %sign3A_36 = arith.extui %sign3A_35 : i1 to i32
      %sign3A_37 = arith.constant 0 : i32
      %sign3A_38 = arith.cmpi slt, %jit3A_27, %sign3A_37 : i32
      %sign3A_39 = arith.extui %sign3A_38 : i1 to i32
      %sign3A_40 = arith.subi %sign3A_36, %sign3A_39 : i32
      %ne3A = arith.cmpi ne, %sign3A_33, %sign3A_40 : i32
      %rem3A = arith.remsi %scan3A_26, %jit3A_27 : i32
      %ne3A_41 = arith.constant 0 : i32
      %ne3A_42 = arith.cmpi ne, %rem3A, %ne3A_41 : i32
      %and3A = arith.andi %ne3A, %ne3A_42 : i1
      %sub3A = arith.constant 1 : i32
      %sub3A_43 = arith.subi %div3A, %sub3A : i32
      %select_n3A_44 = arith.select %and3A, %sub3A_43, %div3A : i32
      %jit3A_45 = arith.constant 8 : i32
      %eq3A_46 = arith.constant 0 : i32
      %eq3A_47 = arith.cmpi eq, %jit3A_45, %eq3A_46 : i32
      %jit3A_48 = arith.constant 1 : i32
      %select_n3A_49 = arith.select %eq3A_47, %jit3A_48, %jit3A_45 : i32
      %rem3A_50 = arith.remsi %scan3A_26, %select_n3A_49 : i32
      %ne3A_51 = arith.constant 0 : i32
      %ne3A_52 = arith.cmpi ne, %rem3A_50, %ne3A_51 : i32
      %lt3A = arith.constant 0 : i32
      %lt3A_53 = arith.cmpi slt, %rem3A_50, %lt3A : i32
      %lt3A_54 = arith.constant 0 : i32
      %lt3A_55 = arith.cmpi slt, %select_n3A_49, %lt3A_54 : i32
      %ne3A_56 = arith.xori %lt3A_53, %lt3A_55 : i1
      %and3A_57 = arith.andi %ne3A_56, %ne3A_52 : i1
      %add3A = arith.addi %rem3A_50, %select_n3A_49 : i32
      %select_n3A_58 = arith.select %and3A_57, %add3A, %rem3A_50 : i32
      %broadcast_in_dim3A = arith.constant 0.000000e+00 : f32
      %broadcast_in_dim3A_59 = vector.broadcast %broadcast_in_dim3A : f32 to vector<16xf32>
      %mul3A_60 = arith.constant 16 : i32
      %mul3A_61 = arith.muli %select_n3A_58, %mul3A_60 : i32
      %swap3A = arith.index_cast %select_n3A_44 : i32 to index
      %swap3A_62 = arith.index_cast %mul3A_61 : i32 to index
      %swap3A_63 = tpu.vector_load %arg8[%swap3A, %swap3A_62] {strides = array<i32>} : memref<128x128xf32, #tpu.memory_space<vmem>>, vector<1x16xf32>,
      %swap3A_64 = vector.shape_cast %swap3A_63 : vector<1x16xf32> to vector<16xf32>
      %swap3A_65 = vector.shape_cast %broadcast_in_dim3A_59 : vector<16xf32> to vector<1x16xf32>
      tpu.vector_store %arg8[%swap3A, %swap3A_62], %swap3A_65 {strides = array<i32>} : memref<128x128xf32, #tpu.memory_space<vmem>>, vector<1x16xf32>,
    }
    %scan3A_6 = arith.constant 1024 : i32
    "tpu.region"() ({
      %run_scoped3A = tpu.sem_alloc : memref<!tpu.dma_semaphore, #tpu.memory_space<semaphore_mem>>
      %dma_start3A = arith.constant 0 : i32
      %dma_start3A_26 = arith.constant 0 : i32
      %dma_start3A_27 = tpu.memref_slice %arg3[%arg0, %arg1, %dma_start3A, %dma_start3A_26] : memref<2x16x118x128xi32, #tpu.memory_space<hbm>> -> memref<1x1x118x128xi32, #tpu.memory_space<hbm>>
      %dma_start3A_28 = tpu.memref_squeeze %dma_start3A_27 : memref<1x1x118x128xi32, #tpu.memory_space<hbm>> -> memref<118x128xi32, #tpu.memory_space<hbm>>
      %dma_start3A_29 = arith.constant 0 : i32
      %dma_start3A_30 = arith.constant 0 : i32
      %dma_start3A_31 = tpu.memref_slice %arg3[%arg0, %arg1, %dma_start3A_29, %dma_start3A_30] : memref<2x16x118x128xi32, #tpu.memory_space<hbm>> -> memref<1x1x118x128xi32, #tpu.memory_space<hbm>>
      %dma_start3A_32 = tpu.memref_squeeze %dma_start3A_31 : memref<1x1x118x128xi32, #tpu.memory_space<hbm>> -> memref<118x128xi32, #tpu.memory_space<hbm>>
      tpu.enqueue_dma source(%dma_start3A_32 : memref<118x128xi32, #tpu.memory_space<hbm>>) target(%arg6 : memref<118x128xi32, #tpu.memory_space<vmem>>) target_semaphore(%run_scoped3A : memref<!tpu.dma_semaphore, #tpu.memory_space<semaphore_mem>>)
      %dma_wait3A = arith.constant 0 : i32
      %dma_wait3A_33 = arith.constant 0 : i32
      %dma_wait3A_34 = tpu.memref_slice %arg3[%arg0, %arg1, %dma_wait3A, %dma_wait3A_33] : memref<2x16x118x128xi32, #tpu.memory_space<hbm>> -> memref<1x1x118x128xi32, #tpu.memory_space<hbm>>
      %dma_wait3A_35 = tpu.memref_squeeze %dma_wait3A_34 : memref<1x1x118x128xi32, #tpu.memory_space<hbm>> -> memref<118x128xi32, #tpu.memory_space<hbm>>
      %dma_wait3A_36 = arith.constant 0 : i32
      %dma_wait3A_37 = arith.constant 0 : i32
      %dma_wait3A_38 = tpu.memref_slice %arg3[%arg0, %arg1, %dma_wait3A_36, %dma_wait3A_37] : memref<2x16x118x128xi32, #tpu.memory_space<hbm>> -> memref<1x1x118x128xi32, #tpu.memory_space<hbm>>
      %dma_wait3A_39 = tpu.memref_squeeze %dma_wait3A_38 : memref<1x1x118x128xi32, #tpu.memory_space<hbm>> -> memref<118x128xi32, #tpu.memory_space<hbm>>
      tpu.wait_dma2 semaphore(%run_scoped3A : memref<!tpu.dma_semaphore, #tpu.memory_space<semaphore_mem>>) src(%dma_wait3A_39 : memref<118x128xi32, #tpu.memory_space<hbm>>) dst(%arg6 : memref<118x128xi32, #tpu.memory_space<vmem>>)
      tpu.yield
    }) : () -> ()
    "tpu.region"() ({
      %run_scoped3A = tpu.sem_alloc : memref<!tpu.dma_semaphore, #tpu.memory_space<semaphore_mem>>
      %dma_start3A = arith.constant 0 : i32
      %dma_start3A_26 = arith.constant 0 : i32
      %dma_start3A_27 = tpu.memref_slice %arg4[%arg0, %arg1, %dma_start3A, %dma_start3A_26] : memref<2x16x118x128xi32, #tpu.memory_space<hbm>> -> memref<1x1x118x128xi32, #tpu.memory_space<hbm>>
      %dma_start3A_28 = tpu.memref_squeeze %dma_start3A_27 : memref<1x1x118x128xi32, #tpu.memory_space<hbm>> -> memref<118x128xi32, #tpu.memory_space<hbm>>
      %dma_start3A_29 = arith.constant 0 : i32
      %dma_start3A_30 = arith.constant 0 : i32
      %dma_start3A_31 = tpu.memref_slice %arg4[%arg0, %arg1, %dma_start3A_29, %dma_start3A_30] : memref<2x16x118x128xi32, #tpu.memory_space<hbm>> -> memref<1x1x118x128xi32, #tpu.memory_space<hbm>>
      %dma_start3A_32 = tpu.memref_squeeze %dma_start3A_31 : memref<1x1x118x128xi32, #tpu.memory_space<hbm>> -> memref<118x128xi32, #tpu.memory_space<hbm>>
      tpu.enqueue_dma source(%dma_start3A_32 : memref<118x128xi32, #tpu.memory_space<hbm>>) target(%arg7 : memref<118x128xi32, #tpu.memory_space<vmem>>) target_semaphore(%run_scoped3A : memref<!tpu.dma_semaphore, #tpu.memory_space<semaphore_mem>>)
      %dma_wait3A = arith.constant 0 : i32
      %dma_wait3A_33 = arith.constant 0 : i32
      %dma_wait3A_34 = tpu.memref_slice %arg4[%arg0, %arg1, %dma_wait3A, %dma_wait3A_33] : memref<2x16x118x128xi32, #tpu.memory_space<hbm>> -> memref<1x1x118x128xi32, #tpu.memory_space<hbm>>
      %dma_wait3A_35 = tpu.memref_squeeze %dma_wait3A_34 : memref<1x1x118x128xi32, #tpu.memory_space<hbm>> -> memref<118x128xi32, #tpu.memory_space<hbm>>
      %dma_wait3A_36 = arith.constant 0 : i32
      %dma_wait3A_37 = arith.constant 0 : i32
      %dma_wait3A_38 = tpu.memref_slice %arg4[%arg0, %arg1, %dma_wait3A_36, %dma_wait3A_37] : memref<2x16x118x128xi32, #tpu.memory_space<hbm>> -> memref<1x1x118x128xi32, #tpu.memory_space<hbm>>
      %dma_wait3A_39 = tpu.memref_squeeze %dma_wait3A_38 : memref<1x1x118x128xi32, #tpu.memory_space<hbm>> -> memref<118x128xi32, #tpu.memory_space<hbm>>
      tpu.wait_dma2 semaphore(%run_scoped3A : memref<!tpu.dma_semaphore, #tpu.memory_space<semaphore_mem>>) src(%dma_wait3A_39 : memref<118x128xi32, #tpu.memory_space<hbm>>) dst(%arg7 : memref<118x128xi32, #tpu.memory_space<vmem>>)
      tpu.yield
    }) : () -> ()
    %scan3A_7 = arith.constant 0 : i32
    %scan3A_8 = arith.constant 0 : i32
    %scan3A_9 = arith.constant 5 : i32
    %scan3A_10 = arith.addi %scan3A_8, %scan3A_9 : i32
    %scan3A_11 = arith.constant 1 : i32
    scf.for %scan3A_26 = %scan3A_8 to %scan3A_10 step %scan3A_11  : i32 {
      %mul3A_27 = arith.constant 640 : i32
      %mul3A_28 = arith.muli %arg1, %mul3A_27 : i32
      %mul3A_29 = arith.constant 128 : i32
      %mul3A_30 = arith.muli %scan3A_26, %mul3A_29 : i32
      %add3A = arith.addi %mul3A_28, %mul3A_30 : i32
      "tpu.region"() ({
        %run_scoped3A = tpu.sem_alloc : memref<!tpu.dma_semaphore, #tpu.memory_space<semaphore_mem>>
        %dma_start3A = arith.constant 0 : i32
        %dma_start3A_31 = tpu.memref_slice %arg9[%add3A, %dma_start3A] : memref<10240x128xf32, #tpu.memory_space<vmem_shared>> -> memref<128x128xf32, #tpu.memory_space<vmem_shared>>
        %dma_start3A_32 = arith.constant 0 : i32
        %dma_start3A_33 = tpu.memref_slice %arg9[%add3A, %dma_start3A_32] : memref<10240x128xf32, #tpu.memory_space<vmem_shared>> -> memref<128x128xf32, #tpu.memory_space<vmem_shared>>
        tpu.enqueue_dma source(%arg8 : memref<128x128xf32, #tpu.memory_space<vmem>>) target(%dma_start3A_33 : memref<128x128xf32, #tpu.memory_space<vmem_shared>>) target_semaphore(%run_scoped3A : memref<!tpu.dma_semaphore, #tpu.memory_space<semaphore_mem>>)
        %dma_wait3A = arith.constant 0 : i32
        %dma_wait3A_34 = tpu.memref_slice %arg9[%add3A, %dma_wait3A] : memref<10240x128xf32, #tpu.memory_space<vmem_shared>> -> memref<128x128xf32, #tpu.memory_space<vmem_shared>>
        %dma_wait3A_35 = arith.constant 0 : i32
        %dma_wait3A_36 = tpu.memref_slice %arg9[%add3A, %dma_wait3A_35] : memref<10240x128xf32, #tpu.memory_space<vmem_shared>> -> memref<128x128xf32, #tpu.memory_space<vmem_shared>>
        tpu.wait_dma2 semaphore(%run_scoped3A : memref<!tpu.dma_semaphore, #tpu.memory_space<semaphore_mem>>) src(%arg8 : memref<128x128xf32, #tpu.memory_space<vmem>>) dst(%dma_wait3A_36 : memref<128x128xf32, #tpu.memory_space<vmem_shared>>)
        tpu.yield
      }) : () -> ()
    }
    %scan3A_12 = arith.constant 5 : i32
    %barrier3A = arith.constant 0 : index
    tpu.barrier barrier_id(%barrier3A)
    %while3A = arith.constant 0 : i32
    %while3A_13 = arith.constant 0 : i32
    %while3A_14 = arith.subi %select_n3A, %while3A_13 : i32
    %while3A_15 = arith.addi %while3A_13, %while3A_14 : i32
    %while3A_16 = arith.constant 1 : i32
    %while3A_17 = arith.divsi %while3A_14, %while3A_16 : i32
    %while3A_18 = arith.muli %while3A_17, %while3A_16 : i32
    %while3A_19 = arith.addi %while3A_13, %while3A_18 : i32
    %while3A_20 = arith.constant 1 : i32
    scf.for %while3A_26 = %while3A_13 to %while3A_19 step %while3A_20  : i32 {
      %dma_start3A = arith.constant 0 : i32
      %dma_start3A_27 = tpu.memref_slice %arg6[%while3A_26, %dma_start3A] : memref<118x128xi32, #tpu.memory_space<vmem>> -> memref<1x128xi32, #tpu.memory_space<vmem>>
      %dma_start3A_28 = tpu.memref_squeeze %dma_start3A_27 : memref<1x128xi32, #tpu.memory_space<vmem>> -> memref<128xi32, #tpu.memory_space<vmem>>
      %dma_start3A_29 = arith.constant 0 : i32
      %dma_start3A_30 = arith.constant 0 : i32
      %dma_start3A_31 = tpu.memref_slice %arg2[%dma_start3A_29, %dma_start3A_30] : memref<10000x128xf32, #tpu.memory_space<hbm>> -> memref<10000x128xf32, #tpu.memory_space<hbm>>
      tpu.enqueue_indirect_dma source(%dma_start3A_31 : memref<10000x128xf32, #tpu.memory_space<hbm>>) target(%arg8 : memref<128x128xf32, #tpu.memory_space<vmem>>) offsets(%dma_start3A_28 : memref<128xi32, #tpu.memory_space<vmem>>) semaphore(%arg10 : memref<!tpu.dma_semaphore, #tpu.memory_space<semaphore_mem>>)
      %dma_wait3A = arith.constant 0 : i32
      %dma_wait3A_32 = tpu.memref_slice %arg6[%while3A_26, %dma_wait3A] : memref<118x128xi32, #tpu.memory_space<vmem>> -> memref<1x128xi32, #tpu.memory_space<vmem>>
      %dma_wait3A_33 = tpu.memref_squeeze %dma_wait3A_32 : memref<1x128xi32, #tpu.memory_space<vmem>> -> memref<128xi32, #tpu.memory_space<vmem>>
      %dma_wait3A_34 = arith.constant 0 : i32
      %dma_wait3A_35 = arith.constant 0 : i32
      %dma_wait3A_36 = tpu.memref_slice %arg2[%dma_wait3A_34, %dma_wait3A_35] : memref<10000x128xf32, #tpu.memory_space<hbm>> -> memref<10000x128xf32, #tpu.memory_space<hbm>>
      tpu.wait_indirect_dma semaphore(%arg10 : memref<!tpu.dma_semaphore, #tpu.memory_space<semaphore_mem>>) src(%dma_wait3A_36 : memref<10000x128xf32, #tpu.memory_space<hbm>>) dst(%arg8 : memref<128x128xf32, #tpu.memory_space<vmem>>)
      "tpu.region"() ({
        %run_scoped3A = tpu.sem_alloc : memref<!tpu.dma_semaphore, #tpu.memory_space<semaphore_mem>>
        %dma_start3A_37 = arith.constant 0 : i32
        %dma_start3A_38 = tpu.memref_slice %arg7[%while3A_26, %dma_start3A_37] : memref<118x128xi32, #tpu.memory_space<vmem>> -> memref<1x128xi32, #tpu.memory_space<vmem>>
        %dma_start3A_39 = tpu.memref_squeeze %dma_start3A_38 : memref<1x128xi32, #tpu.memory_space<vmem>> -> memref<128xi32, #tpu.memory_space<vmem>>
        %dma_start3A_40 = arith.constant 0 : i32
        %dma_start3A_41 = arith.constant 0 : i32
        %dma_start3A_42 = tpu.memref_slice %arg9[%dma_start3A_40, %dma_start3A_41] : memref<10240x128xf32, #tpu.memory_space<vmem_shared>> -> memref<10240x128xf32, #tpu.memory_space<vmem_shared>>
        tpu.enqueue_indirect_dma source(%arg8 : memref<128x128xf32, #tpu.memory_space<vmem>>) target(%dma_start3A_42 : memref<10240x128xf32, #tpu.memory_space<vmem_shared>>) offsets(%dma_start3A_39 : memref<128xi32, #tpu.memory_space<vmem>>) semaphore(%run_scoped3A : memref<!tpu.dma_semaphore, #tpu.memory_space<semaphore_mem>>) {add = true}
        %dma_wait3A_43 = arith.constant 0 : i32
        %dma_wait3A_44 = tpu.memref_slice %arg7[%while3A_26, %dma_wait3A_43] : memref<118x128xi32, #tpu.memory_space<vmem>> -> memref<1x128xi32, #tpu.memory_space<vmem>>
        %dma_wait3A_45 = tpu.memref_squeeze %dma_wait3A_44 : memref<1x128xi32, #tpu.memory_space<vmem>> -> memref<128xi32, #tpu.memory_space<vmem>>
        %dma_wait3A_46 = arith.constant 0 : i32
        %dma_wait3A_47 = arith.constant 0 : i32
        %dma_wait3A_48 = tpu.memref_slice %arg9[%dma_wait3A_46, %dma_wait3A_47] : memref<10240x128xf32, #tpu.memory_space<vmem_shared>> -> memref<10240x128xf32, #tpu.memory_space<vmem_shared>>
        tpu.wait_indirect_dma semaphore(%run_scoped3A : memref<!tpu.dma_semaphore, #tpu.memory_space<semaphore_mem>>) src(%arg8 : memref<128x128xf32, #tpu.memory_space<vmem>>) dst(%dma_wait3A_48 : memref<10240x128xf32, #tpu.memory_space<vmem_shared>>)
        tpu.yield
      }) : () -> ()
    }
    %while3A_21 = arith.constant 1 : i32
    scf.for %while3A_26 = %while3A_19 to %while3A_15 step %while3A_21  : i32 {
      %dma_start3A = arith.constant 0 : i32
      %dma_start3A_27 = tpu.memref_slice %arg6[%while3A_26, %dma_start3A] : memref<118x128xi32, #tpu.memory_space<vmem>> -> memref<1x128xi32, #tpu.memory_space<vmem>>
      %dma_start3A_28 = tpu.memref_squeeze %dma_start3A_27 : memref<1x128xi32, #tpu.memory_space<vmem>> -> memref<128xi32, #tpu.memory_space<vmem>>
      %dma_start3A_29 = arith.constant 0 : i32
      %dma_start3A_30 = arith.constant 0 : i32
      %dma_start3A_31 = tpu.memref_slice %arg2[%dma_start3A_29, %dma_start3A_30] : memref<10000x128xf32, #tpu.memory_space<hbm>> -> memref<10000x128xf32, #tpu.memory_space<hbm>>
      tpu.enqueue_indirect_dma source(%dma_start3A_31 : memref<10000x128xf32, #tpu.memory_space<hbm>>) target(%arg8 : memref<128x128xf32, #tpu.memory_space<vmem>>) offsets(%dma_start3A_28 : memref<128xi32, #tpu.memory_space<vmem>>) semaphore(%arg10 : memref<!tpu.dma_semaphore, #tpu.memory_space<semaphore_mem>>)
      %dma_wait3A = arith.constant 0 : i32
      %dma_wait3A_32 = tpu.memref_slice %arg6[%while3A_26, %dma_wait3A] : memref<118x128xi32, #tpu.memory_space<vmem>> -> memref<1x128xi32, #tpu.memory_space<vmem>>
      %dma_wait3A_33 = tpu.memref_squeeze %dma_wait3A_32 : memref<1x128xi32, #tpu.memory_space<vmem>> -> memref<128xi32, #tpu.memory_space<vmem>>
      %dma_wait3A_34 = arith.constant 0 : i32
      %dma_wait3A_35 = arith.constant 0 : i32
      %dma_wait3A_36 = tpu.memref_slice %arg2[%dma_wait3A_34, %dma_wait3A_35] : memref<10000x128xf32, #tpu.memory_space<hbm>> -> memref<10000x128xf32, #tpu.memory_space<hbm>>
      tpu.wait_indirect_dma semaphore(%arg10 : memref<!tpu.dma_semaphore, #tpu.memory_space<semaphore_mem>>) src(%dma_wait3A_36 : memref<10000x128xf32, #tpu.memory_space<hbm>>) dst(%arg8 : memref<128x128xf32, #tpu.memory_space<vmem>>)
      "tpu.region"() ({
        %run_scoped3A = tpu.sem_alloc : memref<!tpu.dma_semaphore, #tpu.memory_space<semaphore_mem>>
        %dma_start3A_37 = arith.constant 0 : i32
        %dma_start3A_38 = tpu.memref_slice %arg7[%while3A_26, %dma_start3A_37] : memref<118x128xi32, #tpu.memory_space<vmem>> -> memref<1x128xi32, #tpu.memory_space<vmem>>
        %dma_start3A_39 = tpu.memref_squeeze %dma_start3A_38 : memref<1x128xi32, #tpu.memory_space<vmem>> -> memref<128xi32, #tpu.memory_space<vmem>>
        %dma_start3A_40 = arith.constant 0 : i32
        %dma_start3A_41 = arith.constant 0 : i32
        %dma_start3A_42 = tpu.memref_slice %arg9[%dma_start3A_40, %dma_start3A_41] : memref<10240x128xf32, #tpu.memory_space<vmem_shared>> -> memref<10240x128xf32, #tpu.memory_space<vmem_shared>>
        tpu.enqueue_indirect_dma source(%arg8 : memref<128x128xf32, #tpu.memory_space<vmem>>) target(%dma_start3A_42 : memref<10240x128xf32, #tpu.memory_space<vmem_shared>>) offsets(%dma_start3A_39 : memref<128xi32, #tpu.memory_space<vmem>>) semaphore(%run_scoped3A : memref<!tpu.dma_semaphore, #tpu.memory_space<semaphore_mem>>) {add = true}
        %dma_wait3A_43 = arith.constant 0 : i32
        %dma_wait3A_44 = tpu.memref_slice %arg7[%while3A_26, %dma_wait3A_43] : memref<118x128xi32, #tpu.memory_space<vmem>> -> memref<1x128xi32, #tpu.memory_space<vmem>>
        %dma_wait3A_45 = tpu.memref_squeeze %dma_wait3A_44 : memref<1x128xi32, #tpu.memory_space<vmem>> -> memref<128xi32, #tpu.memory_space<vmem>>
        %dma_wait3A_46 = arith.constant 0 : i32
        %dma_wait3A_47 = arith.constant 0 : i32
        %dma_wait3A_48 = tpu.memref_slice %arg9[%dma_wait3A_46, %dma_wait3A_47] : memref<10240x128xf32, #tpu.memory_space<vmem_shared>> -> memref<10240x128xf32, #tpu.memory_space<vmem_shared>>
        tpu.wait_indirect_dma semaphore(%run_scoped3A : memref<!tpu.dma_semaphore, #tpu.memory_space<semaphore_mem>>) src(%arg8 : memref<128x128xf32, #tpu.memory_space<vmem>>) dst(%dma_wait3A_48 : memref<10240x128xf32, #tpu.memory_space<vmem_shared>>)
        tpu.yield
      }) : () -> ()
    }
    %barrier3A_22 = arith.constant 0 : index
    tpu.barrier barrier_id(%barrier3A_22)
    %mul3A = arith.constant 640 : i32
    %mul3A_23 = arith.muli %arg1, %mul3A : i32
    %mul3A_24 = arith.constant 640 : i32
    %mul3A_25 = arith.muli %arg1, %mul3A_24 : i32
    "tpu.region"() ({
      %run_scoped3A = tpu.sem_alloc : memref<!tpu.dma_semaphore, #tpu.memory_space<semaphore_mem>>
      %dma_start3A = arith.constant 0 : i32
      %dma_start3A_26 = tpu.memref_slice %arg5[%arg0, %mul3A_25, %dma_start3A] : memref<2x10240x128xf32, #tpu.memory_space<hbm>> -> memref<1x640x128xf32, #tpu.memory_space<hbm>>
      %dma_start3A_27 = tpu.memref_squeeze %dma_start3A_26 : memref<1x640x128xf32, #tpu.memory_space<hbm>> -> memref<640x128xf32, #tpu.memory_space<hbm>>
      %dma_start3A_28 = arith.constant 0 : i32
      %dma_start3A_29 = tpu.memref_slice %arg9[%mul3A_23, %dma_start3A_28] : memref<10240x128xf32, #tpu.memory_space<vmem_shared>> -> memref<640x128xf32, #tpu.memory_space<vmem_shared>>
      tpu.enqueue_dma source(%dma_start3A_29 : memref<640x128xf32, #tpu.memory_space<vmem_shared>>) target(%dma_start3A_27 : memref<640x128xf32, #tpu.memory_space<hbm>>) target_semaphore(%run_scoped3A : memref<!tpu.dma_semaphore, #tpu.memory_space<semaphore_mem>>)
      %dma_wait3A = arith.constant 0 : i32
      %dma_wait3A_30 = tpu.memref_slice %arg5[%arg0, %mul3A_25, %dma_wait3A] : memref<2x10240x128xf32, #tpu.memory_space<hbm>> -> memref<1x640x128xf32, #tpu.memory_space<hbm>>
      %dma_wait3A_31 = tpu.memref_squeeze %dma_wait3A_30 : memref<1x640x128xf32, #tpu.memory_space<hbm>> -> memref<640x128xf32, #tpu.memory_space<hbm>>
      %dma_wait3A_32 = arith.constant 0 : i32
      %dma_wait3A_33 = tpu.memref_slice %arg9[%mul3A_23, %dma_wait3A_32] : memref<10240x128xf32, #tpu.memory_space<vmem_shared>> -> memref<640x128xf32, #tpu.memory_space<vmem_shared>>
      tpu.wait_dma2 semaphore(%run_scoped3A : memref<!tpu.dma_semaphore, #tpu.memory_space<semaphore_mem>>) src(%dma_wait3A_33 : memref<640x128xf32, #tpu.memory_space<vmem_shared>>) dst(%dma_wait3A_31 : memref<640x128xf32, #tpu.memory_space<hbm>>)
      tpu.yield
    }) : () -> ()
    return
  }
}

module attributes {stable_mosaic.version = 14 : i64} {
  func.func @body(%arg0: i32, %arg1: memref<2000x128xf32, #tpu.memory_space<vmem>>, %arg2: memref<128x128xf32, #tpu.memory_space<vmem>>, %arg3: memref<2000x2xf32, #tpu.memory_space<vmem>>, %arg4: memref<2000x128xf32, #tpu.memory_space<vmem>>, %arg5: memref<2000x1xf32, #tpu.memory_space<vmem>>) attributes {dimension_semantics = [#tpu.dimension_semantics<arbitrary>], iteration_bounds = array<i64: 5>, scalar_prefetch = 0 : i64, scratch_operands = 0 : i64, tpu.core_type = #tpu.core_type<tc>, window_params = [{transform_indices = @transform_0, window_bounds = array<i64: 2000, 128>}, {pipeline_mode = #tpu.pipeline_mode<synchronous>, transform_indices = @transform_1, window_bounds = array<i64: 128, 128>}, {transform_indices = @transform_2, window_bounds = array<i64: 2000, 2>}, {transform_indices = @transform_3, window_bounds = array<i64: 2000, 128>}, {transform_indices = @transform_4, window_bounds = array<i64: 2000, 1>}]} {
    %get3A = arith.constant 0 : index
    %get3A_0 = arith.constant 0 : index
    %get3A_1 = vector.load %arg3[%get3A, %get3A_0] : memref<2000x2xf32, #tpu.memory_space<vmem>>, vector<2000x2xf32>
    %slice3A = vector.extract_strided_slice %get3A_1 {offsets = [0, 0], sizes = [2000, 1], strides = [1, 1]} : vector<2000x2xf32> to vector<2000x1xf32>
    %squeeze3A = vector.shape_cast %slice3A : vector<2000x1xf32> to vector<2000xf32>
    %slice3A_2 = vector.extract_strided_slice %get3A_1 {offsets = [0, 1], sizes = [2000, 1], strides = [1, 1]} : vector<2000x2xf32> to vector<2000x1xf32>
    %squeeze3A_3 = vector.shape_cast %slice3A_2 : vector<2000x1xf32> to vector<2000xf32>
    %add3A = arith.addf %squeeze3A, %squeeze3A_3 : vector<2000xf32>
    %add3A_4 = arith.constant 1.000000e+00 : f32
    %add3A_5 = vector.broadcast %add3A_4 : f32 to vector<2000xf32>
    %add3A_6 = arith.addf %add3A, %add3A_5 : vector<2000xf32>
    %rsqrt3A = math.rsqrt %add3A_6 : vector<2000xf32>
    %broadcast_in_dim3A = vector.shape_cast %rsqrt3A : vector<2000xf32> to vector<2000x1xf32>
    %get3A_7 = arith.constant 0 : index
    %get3A_8 = arith.constant 0 : index
    %get3A_9 = vector.load %arg1[%get3A_7, %get3A_8] : memref<2000x128xf32, #tpu.memory_space<vmem>>, vector<2000x128xf32>
    %get3A_10 = arith.constant 0 : index
    %get3A_11 = arith.constant 0 : index
    %get3A_12 = vector.load %arg2[%get3A_10, %get3A_11] : memref<128x128xf32, #tpu.memory_space<vmem>>, vector<128x128xf32>
    %dot_general3A = arith.constant dense<0.000000e+00> : vector<2000x128xf32>
    %dot_general3A_13 = tpu.matmul %get3A_9, %get3A_12, %dot_general3A {dimension_numbers = #tpu.dot_dimension_numbers<[1], [0], [0], [1], [0, 0, 1, 1], [], []>, transpose_lhs_hint = false} : vector<2000x128xf32>, vector<128x128xf32>, vector<2000x128xf32> -> vector<2000x128xf32>
    %mul3A = vector.broadcast %broadcast_in_dim3A : vector<2000x1xf32> to vector<2000x128xf32>
    %mul3A_14 = arith.mulf %dot_general3A_13, %mul3A : vector<2000x128xf32>
    %swap3A = arith.constant 0 : index
    %swap3A_15 = arith.constant 0 : index
    %swap3A_16 = vector.load %arg4[%swap3A, %swap3A_15] : memref<2000x128xf32, #tpu.memory_space<vmem>>, vector<2000x128xf32>
    tpu.vector_store %arg4[%swap3A, %swap3A_15], %mul3A_14 {strides = array<i32>} : memref<2000x128xf32, #tpu.memory_space<vmem>>, vector<2000x128xf32>,
    %swap3A_17 = arith.constant 0 : index
    %swap3A_18 = arith.constant 0 : index
    %swap3A_19 = vector.load %arg5[%swap3A_17, %swap3A_18] : memref<2000x1xf32, #tpu.memory_space<vmem>>, vector<2000x1xf32>
    tpu.vector_store %arg5[%swap3A_17, %swap3A_18], %broadcast_in_dim3A {strides = array<i32>} : memref<2000x1xf32, #tpu.memory_space<vmem>>, vector<2000x1xf32>,
    return
  }
  func.func @transform_0(%arg0: i32) -> (i32, i32) {
    %c0_i32 = arith.constant 0 : i32
    %c0_i32_0 = arith.constant 0 : i32
    return %arg0, %c0_i32 : i32, i32
  }
  func.func @transform_1(%arg0: i32) -> (i32, i32) {
    %c0_i32 = arith.constant 0 : i32
    %c0_i32_0 = arith.constant 0 : i32
    %c0_i32_1 = arith.constant 0 : i32
    return %c0_i32, %c0_i32_0 : i32, i32
  }
  func.func @transform_2(%arg0: i32) -> (i32, i32) {
    %c0_i32 = arith.constant 0 : i32
    %c0_i32_0 = arith.constant 0 : i32
    return %arg0, %c0_i32 : i32, i32
  }
  func.func @transform_3(%arg0: i32) -> (i32, i32) {
    %c0_i32 = arith.constant 0 : i32
    %c0_i32_0 = arith.constant 0 : i32
    return %arg0, %c0_i32 : i32, i32
  }
  func.func @transform_4(%arg0: i32) -> (i32, i32) {
    %c0_i32 = arith.constant 0 : i32
    %c0_i32_0 = arith.constant 0 : i32
    return %arg0, %c0_i32 : i32, i32
  }
}

module attributes {stable_mosaic.version = 14 : i64} {
  func.func @body(%arg0: i32, %arg1: memref<2x2000x128xf32, #tpu.memory_space<vmem>>, %arg2: memref<2000x128xf32, #tpu.memory_space<vmem>>, %arg3: memref<2000x1xf32, #tpu.memory_space<vmem>>, %arg4: memref<128xf32, #tpu.memory_space<vmem>>, %arg5: memref<128xf32, #tpu.memory_space<vmem>>, %arg6: memref<128xf32, #tpu.memory_space<vmem>>, %arg7: memref<128xf32, #tpu.memory_space<vmem>>, %arg8: memref<128xf32, #tpu.memory_space<vmem>>, %arg9: memref<128x128xf32, #tpu.memory_space<vmem>>, %arg10: memref<2000x128xf32, #tpu.memory_space<vmem>>) attributes {dimension_semantics = [#tpu.dimension_semantics<arbitrary>], iteration_bounds = array<i64: 5>, scalar_prefetch = 0 : i64, scratch_operands = 0 : i64, tpu.core_type = #tpu.core_type<tc>, window_params = [{transform_indices = @transform_0, window_bounds = array<i64: 2, 2000, 128>}, {transform_indices = @transform_1, window_bounds = array<i64: 2000, 128>}, {transform_indices = @transform_2, window_bounds = array<i64: 2000, 1>}, {pipeline_mode = #tpu.pipeline_mode<synchronous>, transform_indices = @transform_3, window_bounds = array<i64: 128>}, {pipeline_mode = #tpu.pipeline_mode<synchronous>, transform_indices = @transform_4, window_bounds = array<i64: 128>}, {pipeline_mode = #tpu.pipeline_mode<synchronous>, transform_indices = @transform_5, window_bounds = array<i64: 128>}, {pipeline_mode = #tpu.pipeline_mode<synchronous>, transform_indices = @transform_6, window_bounds = array<i64: 128>}, {pipeline_mode = #tpu.pipeline_mode<synchronous>, transform_indices = @transform_7, window_bounds = array<i64: 128>}, {pipeline_mode = #tpu.pipeline_mode<synchronous>, transform_indices = @transform_8, window_bounds = array<i64: 128, 128>}, {transform_indices = @transform_9, window_bounds = array<i64: 2000, 128>}]} {
    %get3A = arith.constant 0 : index
    %get3A_0 = arith.constant 0 : index
    %get3A_1 = vector.load %arg3[%get3A, %get3A_0] : memref<2000x1xf32, #tpu.memory_space<vmem>>, vector<2000x1xf32>
    %get3A_2 = arith.constant 0 : index
    %get3A_3 = arith.constant 0 : index
    %get3A_4 = arith.constant 0 : index
    %get3A_5 = vector.load %arg1[%get3A_2, %get3A_3, %get3A_4] : memref<2x2000x128xf32, #tpu.memory_space<vmem>>, vector<1x2000x128xf32>
    %get3A_6 = vector.shape_cast %get3A_5 : vector<1x2000x128xf32> to vector<2000x128xf32>
    %get3A_7 = arith.constant 1 : index
    %get3A_8 = arith.constant 0 : index
    %get3A_9 = arith.constant 0 : index
    %get3A_10 = vector.load %arg1[%get3A_7, %get3A_8, %get3A_9] : memref<2x2000x128xf32, #tpu.memory_space<vmem>>, vector<1x2000x128xf32>
    %get3A_11 = vector.shape_cast %get3A_10 : vector<1x2000x128xf32> to vector<2000x128xf32>
    %add3A = arith.addf %get3A_6, %get3A_11 : vector<2000x128xf32>
    %get3A_12 = arith.constant 0 : index
    %get3A_13 = arith.constant 0 : index
    %get3A_14 = vector.load %arg2[%get3A_12, %get3A_13] : memref<2000x128xf32, #tpu.memory_space<vmem>>, vector<2000x128xf32>
    %add3A_15 = arith.addf %add3A, %get3A_14 : vector<2000x128xf32>
    %mul3A = vector.broadcast %get3A_1 : vector<2000x1xf32> to vector<2000x128xf32>
    %mul3A_16 = arith.mulf %mul3A, %add3A_15 : vector<2000x128xf32>
    %get3A_17 = arith.constant 0 : index
    %get3A_18 = vector.load %arg4[%get3A_17] : memref<128xf32, #tpu.memory_space<vmem>>, vector<128xf32>
    %broadcast_in_dim3A = vector.shape_cast %get3A_18 : vector<128xf32> to vector<1x128xf32>
    %add3A_19 = vector.broadcast %broadcast_in_dim3A : vector<1x128xf32> to vector<2000x128xf32>
    %add3A_20 = arith.addf %mul3A_16, %add3A_19 : vector<2000x128xf32>
    %get3A_21 = arith.constant 0 : index
    %get3A_22 = vector.load %arg8[%get3A_21] : memref<128xf32, #tpu.memory_space<vmem>>, vector<128xf32>
    %add3A_23 = arith.constant 9.99999974E-6 : f32
    %add3A_24 = vector.broadcast %add3A_23 : f32 to vector<128xf32>
    %add3A_25 = arith.addf %get3A_22, %add3A_24 : vector<128xf32>
    %rsqrt3A = math.rsqrt %add3A_25 : vector<128xf32>
    %get3A_26 = arith.constant 0 : index
    %get3A_27 = vector.load %arg5[%get3A_26] : memref<128xf32, #tpu.memory_space<vmem>>, vector<128xf32>
    %mul3A_28 = arith.mulf %rsqrt3A, %get3A_27 : vector<128xf32>
    %broadcast_in_dim3A_29 = vector.shape_cast %mul3A_28 : vector<128xf32> to vector<1x128xf32>
    %get3A_30 = arith.constant 0 : index
    %get3A_31 = vector.load %arg7[%get3A_30] : memref<128xf32, #tpu.memory_space<vmem>>, vector<128xf32>
    %broadcast_in_dim3A_32 = vector.shape_cast %get3A_31 : vector<128xf32> to vector<1x128xf32>
    %sub3A = vector.broadcast %broadcast_in_dim3A_32 : vector<1x128xf32> to vector<2000x128xf32>
    %sub3A_33 = arith.subf %add3A_20, %sub3A : vector<2000x128xf32>
    %mul3A_34 = vector.broadcast %broadcast_in_dim3A_29 : vector<1x128xf32> to vector<2000x128xf32>
    %mul3A_35 = arith.mulf %sub3A_33, %mul3A_34 : vector<2000x128xf32>
    %get3A_36 = arith.constant 0 : index
    %get3A_37 = vector.load %arg6[%get3A_36] : memref<128xf32, #tpu.memory_space<vmem>>, vector<128xf32>
    %broadcast_in_dim3A_38 = vector.shape_cast %get3A_37 : vector<128xf32> to vector<1x128xf32>
    %add3A_39 = vector.broadcast %broadcast_in_dim3A_38 : vector<1x128xf32> to vector<2000x128xf32>
    %add3A_40 = arith.addf %mul3A_35, %add3A_39 : vector<2000x128xf32>
    %max3A = arith.constant 0.000000e+00 : f32
    %max3A_41 = vector.broadcast %max3A : f32 to vector<2000x128xf32>
    %max3A_42 = arith.maximumf %add3A_40, %max3A_41 : vector<2000x128xf32>
    %get3A_43 = arith.constant 0 : index
    %get3A_44 = arith.constant 0 : index
    %get3A_45 = vector.load %arg9[%get3A_43, %get3A_44] : memref<128x128xf32, #tpu.memory_space<vmem>>, vector<128x128xf32>
    %dot_general3A = arith.constant dense<0.000000e+00> : vector<2000x128xf32>
    %dot_general3A_46 = tpu.matmul %max3A_42, %get3A_45, %dot_general3A {dimension_numbers = #tpu.dot_dimension_numbers<[1], [0], [0], [1], [0, 0, 1, 1], [], []>, transpose_lhs_hint = false} : vector<2000x128xf32>, vector<128x128xf32>, vector<2000x128xf32> -> vector<2000x128xf32>
    %mul3A_47 = vector.broadcast %get3A_1 : vector<2000x1xf32> to vector<2000x128xf32>
    %mul3A_48 = arith.mulf %dot_general3A_46, %mul3A_47 : vector<2000x128xf32>
    %swap3A = arith.constant 0 : index
    %swap3A_49 = arith.constant 0 : index
    %swap3A_50 = vector.load %arg10[%swap3A, %swap3A_49] : memref<2000x128xf32, #tpu.memory_space<vmem>>, vector<2000x128xf32>
    tpu.vector_store %arg10[%swap3A, %swap3A_49], %mul3A_48 {strides = array<i32>} : memref<2000x128xf32, #tpu.memory_space<vmem>>, vector<2000x128xf32>,
    return
  }
  func.func @transform_0(%arg0: i32) -> (i32, i32, i32) {
    %c0_i32 = arith.constant 0 : i32
    %c0_i32_0 = arith.constant 0 : i32
    %c0_i32_1 = arith.constant 0 : i32
    return %c0_i32, %arg0, %c0_i32_0 : i32, i32, i32
  }
  func.func @transform_1(%arg0: i32) -> (i32, i32) {
    %c0_i32 = arith.constant 0 : i32
    %c0_i32_0 = arith.constant 0 : i32
    return %arg0, %c0_i32 : i32, i32
  }
  func.func @transform_2(%arg0: i32) -> (i32, i32) {
    %c0_i32 = arith.constant 0 : i32
    %c0_i32_0 = arith.constant 0 : i32
    return %arg0, %c0_i32 : i32, i32
  }
  func.func @transform_3(%arg0: i32) -> i32 {
    %c0_i32 = arith.constant 0 : i32
    %c0_i32_0 = arith.constant 0 : i32
    return %c0_i32 : i32
  }
  func.func @transform_4(%arg0: i32) -> i32 {
    %c0_i32 = arith.constant 0 : i32
    %c0_i32_0 = arith.constant 0 : i32
    return %c0_i32 : i32
  }
  func.func @transform_5(%arg0: i32) -> i32 {
    %c0_i32 = arith.constant 0 : i32
    %c0_i32_0 = arith.constant 0 : i32
    return %c0_i32 : i32
  }
  func.func @transform_6(%arg0: i32) -> i32 {
    %c0_i32 = arith.constant 0 : i32
    %c0_i32_0 = arith.constant 0 : i32
    return %c0_i32 : i32
  }
  func.func @transform_7(%arg0: i32) -> i32 {
    %c0_i32 = arith.constant 0 : i32
    %c0_i32_0 = arith.constant 0 : i32
    return %c0_i32 : i32
  }
  func.func @transform_8(%arg0: i32) -> (i32, i32) {
    %c0_i32 = arith.constant 0 : i32
    %c0_i32_0 = arith.constant 0 : i32
    %c0_i32_1 = arith.constant 0 : i32
    return %c0_i32, %c0_i32_0 : i32, i32
  }
  func.func @transform_9(%arg0: i32) -> (i32, i32) {
    %c0_i32 = arith.constant 0 : i32
    %c0_i32_0 = arith.constant 0 : i32
    return %arg0, %c0_i32 : i32, i32
  }
}

module attributes {stable_mosaic.version = 14 : i64} {
  func.func @body(%arg0: i32, %arg1: memref<2x2000x128xf32, #tpu.memory_space<vmem>>, %arg2: memref<2000x128xf32, #tpu.memory_space<vmem>>, %arg3: memref<2000x1xf32, #tpu.memory_space<vmem>>, %arg4: memref<128xf32, #tpu.memory_space<vmem>>, %arg5: memref<128xf32, #tpu.memory_space<vmem>>, %arg6: memref<128xf32, #tpu.memory_space<vmem>>, %arg7: memref<128xf32, #tpu.memory_space<vmem>>, %arg8: memref<128xf32, #tpu.memory_space<vmem>>, %arg9: memref<2000x128xf32, #tpu.memory_space<vmem>>) attributes {dimension_semantics = [#tpu.dimension_semantics<arbitrary>], iteration_bounds = array<i64: 5>, scalar_prefetch = 0 : i64, scratch_operands = 0 : i64, tpu.core_type = #tpu.core_type<tc>, window_params = [{transform_indices = @transform_0, window_bounds = array<i64: 2, 2000, 128>}, {transform_indices = @transform_1, window_bounds = array<i64: 2000, 128>}, {transform_indices = @transform_2, window_bounds = array<i64: 2000, 1>}, {pipeline_mode = #tpu.pipeline_mode<synchronous>, transform_indices = @transform_3, window_bounds = array<i64: 128>}, {pipeline_mode = #tpu.pipeline_mode<synchronous>, transform_indices = @transform_4, window_bounds = array<i64: 128>}, {pipeline_mode = #tpu.pipeline_mode<synchronous>, transform_indices = @transform_5, window_bounds = array<i64: 128>}, {pipeline_mode = #tpu.pipeline_mode<synchronous>, transform_indices = @transform_6, window_bounds = array<i64: 128>}, {pipeline_mode = #tpu.pipeline_mode<synchronous>, transform_indices = @transform_7, window_bounds = array<i64: 128>}, {transform_indices = @transform_8, window_bounds = array<i64: 2000, 128>}]} {
    %get3A = arith.constant 0 : index
    %get3A_0 = arith.constant 0 : index
    %get3A_1 = vector.load %arg3[%get3A, %get3A_0] : memref<2000x1xf32, #tpu.memory_space<vmem>>, vector<2000x1xf32>
    %get3A_2 = arith.constant 0 : index
    %get3A_3 = arith.constant 0 : index
    %get3A_4 = arith.constant 0 : index
    %get3A_5 = vector.load %arg1[%get3A_2, %get3A_3, %get3A_4] : memref<2x2000x128xf32, #tpu.memory_space<vmem>>, vector<1x2000x128xf32>
    %get3A_6 = vector.shape_cast %get3A_5 : vector<1x2000x128xf32> to vector<2000x128xf32>
    %get3A_7 = arith.constant 1 : index
    %get3A_8 = arith.constant 0 : index
    %get3A_9 = arith.constant 0 : index
    %get3A_10 = vector.load %arg1[%get3A_7, %get3A_8, %get3A_9] : memref<2x2000x128xf32, #tpu.memory_space<vmem>>, vector<1x2000x128xf32>
    %get3A_11 = vector.shape_cast %get3A_10 : vector<1x2000x128xf32> to vector<2000x128xf32>
    %add3A = arith.addf %get3A_6, %get3A_11 : vector<2000x128xf32>
    %get3A_12 = arith.constant 0 : index
    %get3A_13 = arith.constant 0 : index
    %get3A_14 = vector.load %arg2[%get3A_12, %get3A_13] : memref<2000x128xf32, #tpu.memory_space<vmem>>, vector<2000x128xf32>
    %add3A_15 = arith.addf %add3A, %get3A_14 : vector<2000x128xf32>
    %mul3A = vector.broadcast %get3A_1 : vector<2000x1xf32> to vector<2000x128xf32>
    %mul3A_16 = arith.mulf %mul3A, %add3A_15 : vector<2000x128xf32>
    %get3A_17 = arith.constant 0 : index
    %get3A_18 = vector.load %arg4[%get3A_17] : memref<128xf32, #tpu.memory_space<vmem>>, vector<128xf32>
    %broadcast_in_dim3A = vector.shape_cast %get3A_18 : vector<128xf32> to vector<1x128xf32>
    %add3A_19 = vector.broadcast %broadcast_in_dim3A : vector<1x128xf32> to vector<2000x128xf32>
    %add3A_20 = arith.addf %mul3A_16, %add3A_19 : vector<2000x128xf32>
    %get3A_21 = arith.constant 0 : index
    %get3A_22 = vector.load %arg8[%get3A_21] : memref<128xf32, #tpu.memory_space<vmem>>, vector<128xf32>
    %add3A_23 = arith.constant 9.99999974E-6 : f32
    %add3A_24 = vector.broadcast %add3A_23 : f32 to vector<128xf32>
    %add3A_25 = arith.addf %get3A_22, %add3A_24 : vector<128xf32>
    %rsqrt3A = math.rsqrt %add3A_25 : vector<128xf32>
    %get3A_26 = arith.constant 0 : index
    %get3A_27 = vector.load %arg5[%get3A_26] : memref<128xf32, #tpu.memory_space<vmem>>, vector<128xf32>
    %mul3A_28 = arith.mulf %rsqrt3A, %get3A_27 : vector<128xf32>
    %broadcast_in_dim3A_29 = vector.shape_cast %mul3A_28 : vector<128xf32> to vector<1x128xf32>
    %get3A_30 = arith.constant 0 : index
    %get3A_31 = vector.load %arg7[%get3A_30] : memref<128xf32, #tpu.memory_space<vmem>>, vector<128xf32>
    %broadcast_in_dim3A_32 = vector.shape_cast %get3A_31 : vector<128xf32> to vector<1x128xf32>
    %sub3A = vector.broadcast %broadcast_in_dim3A_32 : vector<1x128xf32> to vector<2000x128xf32>
    %sub3A_33 = arith.subf %add3A_20, %sub3A : vector<2000x128xf32>
    %mul3A_34 = vector.broadcast %broadcast_in_dim3A_29 : vector<1x128xf32> to vector<2000x128xf32>
    %mul3A_35 = arith.mulf %sub3A_33, %mul3A_34 : vector<2000x128xf32>
    %get3A_36 = arith.constant 0 : index
    %get3A_37 = vector.load %arg6[%get3A_36] : memref<128xf32, #tpu.memory_space<vmem>>, vector<128xf32>
    %broadcast_in_dim3A_38 = vector.shape_cast %get3A_37 : vector<128xf32> to vector<1x128xf32>
    %add3A_39 = vector.broadcast %broadcast_in_dim3A_38 : vector<1x128xf32> to vector<2000x128xf32>
    %add3A_40 = arith.addf %mul3A_35, %add3A_39 : vector<2000x128xf32>
    %max3A = arith.constant 0.000000e+00 : f32
    %max3A_41 = vector.broadcast %max3A : f32 to vector<2000x128xf32>
    %max3A_42 = arith.maximumf %add3A_40, %max3A_41 : vector<2000x128xf32>
    %mul3A_43 = vector.broadcast %get3A_1 : vector<2000x1xf32> to vector<2000x128xf32>
    %mul3A_44 = arith.mulf %max3A_42, %mul3A_43 : vector<2000x128xf32>
    %swap3A = arith.constant 0 : index
    %swap3A_45 = arith.constant 0 : index
    %swap3A_46 = vector.load %arg9[%swap3A, %swap3A_45] : memref<2000x128xf32, #tpu.memory_space<vmem>>, vector<2000x128xf32>
    tpu.vector_store %arg9[%swap3A, %swap3A_45], %mul3A_44 {strides = array<i32>} : memref<2000x128xf32, #tpu.memory_space<vmem>>, vector<2000x128xf32>,
    return
  }
  func.func @transform_0(%arg0: i32) -> (i32, i32, i32) {
    %c0_i32 = arith.constant 0 : i32
    %c0_i32_0 = arith.constant 0 : i32
    %c0_i32_1 = arith.constant 0 : i32
    return %c0_i32, %arg0, %c0_i32_0 : i32, i32, i32
  }
  func.func @transform_1(%arg0: i32) -> (i32, i32) {
    %c0_i32 = arith.constant 0 : i32
    %c0_i32_0 = arith.constant 0 : i32
    return %arg0, %c0_i32 : i32, i32
  }
  func.func @transform_2(%arg0: i32) -> (i32, i32) {
    %c0_i32 = arith.constant 0 : i32
    %c0_i32_0 = arith.constant 0 : i32
    return %arg0, %c0_i32 : i32, i32
  }
  func.func @transform_3(%arg0: i32) -> i32 {
    %c0_i32 = arith.constant 0 : i32
    %c0_i32_0 = arith.constant 0 : i32
    return %c0_i32 : i32
  }
  func.func @transform_4(%arg0: i32) -> i32 {
    %c0_i32 = arith.constant 0 : i32
    %c0_i32_0 = arith.constant 0 : i32
    return %c0_i32 : i32
  }
  func.func @transform_5(%arg0: i32) -> i32 {
    %c0_i32 = arith.constant 0 : i32
    %c0_i32_0 = arith.constant 0 : i32
    return %c0_i32 : i32
  }
  func.func @transform_6(%arg0: i32) -> i32 {
    %c0_i32 = arith.constant 0 : i32
    %c0_i32_0 = arith.constant 0 : i32
    return %c0_i32 : i32
  }
  func.func @transform_7(%arg0: i32) -> i32 {
    %c0_i32 = arith.constant 0 : i32
    %c0_i32_0 = arith.constant 0 : i32
    return %c0_i32 : i32
  }
  func.func @transform_8(%arg0: i32) -> (i32, i32) {
    %c0_i32 = arith.constant 0 : i32
    %c0_i32_0 = arith.constant 0 : i32
    return %arg0, %c0_i32 : i32, i32
  }
}

module attributes {stable_mosaic.version = 14 : i64} {
  func.func @body(%arg0: i32, %arg1: memref<2x2000x128xf32, #tpu.memory_space<vmem>>, %arg2: memref<2000x128xf32, #tpu.memory_space<vmem>>, %arg3: memref<2000x1xf32, #tpu.memory_space<vmem>>, %arg4: memref<128x4xf32, #tpu.memory_space<vmem>>, %arg5: memref<4xf32, #tpu.memory_space<vmem>>, %arg6: memref<2000x4xf32, #tpu.memory_space<vmem>>) attributes {dimension_semantics = [#tpu.dimension_semantics<arbitrary>], iteration_bounds = array<i64: 5>, scalar_prefetch = 0 : i64, scratch_operands = 0 : i64, tpu.core_type = #tpu.core_type<tc>, window_params = [{transform_indices = @transform_0, window_bounds = array<i64: 2, 2000, 128>}, {transform_indices = @transform_1, window_bounds = array<i64: 2000, 128>}, {transform_indices = @transform_2, window_bounds = array<i64: 2000, 1>}, {pipeline_mode = #tpu.pipeline_mode<synchronous>, transform_indices = @transform_3, window_bounds = array<i64: 128, 4>}, {pipeline_mode = #tpu.pipeline_mode<synchronous>, transform_indices = @transform_4, window_bounds = array<i64: 4>}, {transform_indices = @transform_5, window_bounds = array<i64: 2000, 4>}]} {
    %get3A = arith.constant 0 : index
    %get3A_0 = arith.constant 0 : index
    %get3A_1 = vector.load %arg3[%get3A, %get3A_0] : memref<2000x1xf32, #tpu.memory_space<vmem>>, vector<2000x1xf32>
    %get3A_2 = arith.constant 0 : index
    %get3A_3 = arith.constant 0 : index
    %get3A_4 = arith.constant 0 : index
    %get3A_5 = vector.load %arg1[%get3A_2, %get3A_3, %get3A_4] : memref<2x2000x128xf32, #tpu.memory_space<vmem>>, vector<1x2000x128xf32>
    %get3A_6 = vector.shape_cast %get3A_5 : vector<1x2000x128xf32> to vector<2000x128xf32>
    %get3A_7 = arith.constant 1 : index
    %get3A_8 = arith.constant 0 : index
    %get3A_9 = arith.constant 0 : index
    %get3A_10 = vector.load %arg1[%get3A_7, %get3A_8, %get3A_9] : memref<2x2000x128xf32, #tpu.memory_space<vmem>>, vector<1x2000x128xf32>
    %get3A_11 = vector.shape_cast %get3A_10 : vector<1x2000x128xf32> to vector<2000x128xf32>
    %add3A = arith.addf %get3A_6, %get3A_11 : vector<2000x128xf32>
    %get3A_12 = arith.constant 0 : index
    %get3A_13 = arith.constant 0 : index
    %get3A_14 = vector.load %arg2[%get3A_12, %get3A_13] : memref<2000x128xf32, #tpu.memory_space<vmem>>, vector<2000x128xf32>
    %add3A_15 = arith.addf %add3A, %get3A_14 : vector<2000x128xf32>
    %mul3A = vector.broadcast %get3A_1 : vector<2000x1xf32> to vector<2000x128xf32>
    %mul3A_16 = arith.mulf %mul3A, %add3A_15 : vector<2000x128xf32>
    %get3A_17 = arith.constant 0 : index
    %get3A_18 = arith.constant 0 : index
    %get3A_19 = vector.load %arg4[%get3A_17, %get3A_18] : memref<128x4xf32, #tpu.memory_space<vmem>>, vector<128x4xf32>
    %dot_general3A = arith.constant dense<0.000000e+00> : vector<2000x4xf32>
    %dot_general3A_20 = tpu.matmul %mul3A_16, %get3A_19, %dot_general3A {dimension_numbers = #tpu.dot_dimension_numbers<[1], [0], [0], [1], [0, 0, 1, 1], [], []>, transpose_lhs_hint = false} : vector<2000x128xf32>, vector<128x4xf32>, vector<2000x4xf32> -> vector<2000x4xf32>
    %get3A_21 = arith.constant 0 : index
    %get3A_22 = vector.load %arg5[%get3A_21] : memref<4xf32, #tpu.memory_space<vmem>>, vector<4xf32>
    %broadcast_in_dim3A = vector.shape_cast %get3A_22 : vector<4xf32> to vector<1x4xf32>
    %add3A_23 = vector.broadcast %broadcast_in_dim3A : vector<1x4xf32> to vector<2000x4xf32>
    %add3A_24 = arith.addf %dot_general3A_20, %add3A_23 : vector<2000x4xf32>
    %swap3A = arith.constant 0 : index
    %swap3A_25 = arith.constant 0 : index
    %swap3A_26 = vector.load %arg6[%swap3A, %swap3A_25] : memref<2000x4xf32, #tpu.memory_space<vmem>>, vector<2000x4xf32>
    tpu.vector_store %arg6[%swap3A, %swap3A_25], %add3A_24 {strides = array<i32>} : memref<2000x4xf32, #tpu.memory_space<vmem>>, vector<2000x4xf32>,
    return
  }
  func.func @transform_0(%arg0: i32) -> (i32, i32, i32) {
    %c0_i32 = arith.constant 0 : i32
    %c0_i32_0 = arith.constant 0 : i32
    %c0_i32_1 = arith.constant 0 : i32
    return %c0_i32, %arg0, %c0_i32_0 : i32, i32, i32
  }
  func.func @transform_1(%arg0: i32) -> (i32, i32) {
    %c0_i32 = arith.constant 0 : i32
    %c0_i32_0 = arith.constant 0 : i32
    return %arg0, %c0_i32 : i32, i32
  }
  func.func @transform_2(%arg0: i32) -> (i32, i32) {
    %c0_i32 = arith.constant 0 : i32
    %c0_i32_0 = arith.constant 0 : i32
    return %arg0, %c0_i32 : i32, i32
  }
  func.func @transform_3(%arg0: i32) -> (i32, i32) {
    %c0_i32 = arith.constant 0 : i32
    %c0_i32_0 = arith.constant 0 : i32
    %c0_i32_1 = arith.constant 0 : i32
    return %c0_i32, %c0_i32_0 : i32, i32
  }
  func.func @transform_4(%arg0: i32) -> i32 {
    %c0_i32 = arith.constant 0 : i32
    %c0_i32_0 = arith.constant 0 : i32
    return %c0_i32 : i32
  }
  func.func @transform_5(%arg0: i32) -> (i32, i32) {
    %c0_i32 = arith.constant 0 : i32
    %c0_i32_0 = arith.constant 0 : i32
    return %arg0, %c0_i32 : i32, i32
  }
}

</mosaic_0001>

<sc_bundles>
// kernel: kernel.10.cloned.1.call-start
scs
__scs_entry_jumppad:
0x0: {  	(pc) =	sbr.rel $0x88, $3  }
0x1: {  	(tag) =	ssettag $0x0;
	lr =	simm.s32 $0x1  }
0x2: {  	[smem:$0x3F91] =	sst lr;
	_ =	strace $0xD0000000  }
0x3: {  	_ = 	snop  }
0x4: {  	_ = 	snop  }
0x5: {  	_ = 	snop  }
0x6: {  	_ = 	snop  }
0x7: {  	_ = 	snop  }
__scs_overlays_trampoline_lowered:
0x8: {  	[smem:$0x3FA0] =	sst s0  }
0x9: {  	[smem:$0x3FA1] =	sst s1  }
0xa: {  	[smem:$0x3FA2] =	sst s2  }
0xb: {  	[smem:$0x3FA3] =	sst s3  }
0xc: {  	[smem:$0x3FA4] =	sst s4  }
0xd: {  	[smem:$0x3FA5] =	sst s5  }
0xe: {  	[smem:$0x3FA6] =	sst s6  }
0xf: {  	[smem:$0x3FA7] =	sst s7  }
0x10: {  	[smem:$0x3FA8] =	sst s8  }
0x11: {  	[smem:$0x3FA9] =	sst s9;
	s0 =	simm.s32 @!p0 $0x0  }
0x12: {  	s1 =	sld [smem:$0x3F8F];
	s0 =	simm.s32 @p0 $0x1  }
0x13: {  	[smem:$0x3FAA] =	sst s0;
	s0 =	simm.s32 @!p1 $0x0  }
0x14: {  	s2 =	sld [smem:$0x3F8E];
	s0 =	simm.s32 @p1 $0x1  }
0x15: {  	[smem:$0x3FAB] =	sst s0;
	s0 =	simm.s32 @!p2 $0x0  }
0x16: {  	s3 =	sld [smem:$0x3FDB];
	s0 =	simm.s32 @p2 $0x1  }
0x17: {  	s4 =	simm.s32 $0x1BF5;
	[smem:$0x3FAD] =	sst s0  }
0x18: {  	s0 =	sld [smem:$0x3F90];
	_ =	swait.ge [sflag:s4], $0x0  }
0x19: {  	s7 =	sld [smem:$0x3F91]  }
0x1a: {  	s8 =	sadd.s32 $0xFFFFE003, lr  }
0x1b: {  	s9 =	sadd.s32 $0xFFFFFEF7, lr;
	s5 =	simm.s32 $0xFFFFFFFF;
	p2 =	slt.u32 s8, $0xFFFFF086  }
0x1c: {  	p1 =	slt.u32 s9, $0xF7A;
	s5 =	simm.s32 @!p2 $0x0  }
0x1d: {  	s5 =	simm.s32 @p1 $0x1;
	p0 =	seq.s32 s7, s2  }
0x1e: {  	s7 =	smul.u32 @!p0 $0xF7A, s2;
	p2 =	seq.s32 @!p0 s5, $0x0  }
0x1f: {  	s9 =	smul.u32 $0xF7A, s1;
	s8 =	simm.s32 @!p0 $0x1BF5;
	p2 =	por !p2, p0  }
0x20: {  	[sflag:s8] =	ssyncset.s32 @!p0 $0xFFFFF086;
	s6 =	sadd.s32 @!p0 s3, s7;
	s7 =	simm.s32 @!p0 $0x108  }
0x21: {  	s3 =	sadd.s32 s3, s9;
	s6 =	sadd.s32 @!p0 $0x88, s6;
	s7 =	simm.s32 @p2 $0x1082  }
0x22: {  	[simem:s7], [sflag:s8] =	dma.local @!p0 [hbm:s6], $0xF7A  }
0x23: {  	s9 =	sor.u32 $0xD0000000, s2;
	s6 =	simm.s32 $0x108;
	_ =	swait.ge @!p0 [sflag:s8], $0x0  }
0x24: {  	s3 =	sadd.s32 $0x88, s3;
	s6 =	simm.s32 @!p1 $0x1082;
	[sflag:s4] =	ssyncset.s32 $0xFFFFF086  }
0x25: {  	[simem:s6], [sflag:s4] =	dma.local [hbm:s3], $0xF7A  }
0x26: {  	[smem:$0x3F91] =	sst s1;
	(tag) =	ssettag s2;
	_ =	strace s9  }
0x27: {  	s1 =	sld [smem:$0x3FA1]  }
0x28: {  	s2 =	sld [smem:$0x3FA2]  }
0x29: {  	s4 =	sld [smem:$0x3FA4]  }
0x2a: {  	p0 =	seq.s32 s5, $0x0;
	s5 =	sld [smem:$0x3FA5]  }
0x2b: {  	s6 =	sld [smem:$0x3FA6]  }
0x2c: {  	s7 =	sld [smem:$0x3FA7]  }
0x2d: {  	s3 =	simm.s32 $0x108;
	s8 =	sld [smem:$0x3FA8]  }
0x2e: {  	s3 =	simm.s32 @!p0 $0x1082;
	s9 =	sld [smem:$0x3FA9]  }
0x2f: {  	lr =	sadd.s32 s0, s3;
	s0 =	sld [smem:$0x3FA0]  }
0x30: {  	s3 =	sld [smem:$0x3FA3]  }
0x31: {  	[smem:$0x3FAC] =	sst s10  }
0x32: {  	s10 =	sld [smem:$0x3FAA];
	_ =	sdelay $0x3  }
0x33: {  	p0 =	seq.s32 s10, $0x1;
	s10 =	sld [smem:$0x3FAC];
	_ =	sdelay $0x3  }
0x34: {  	[smem:$0x3FAC] =	sst s10  }
0x35: {  	s10 =	sld [smem:$0x3FAB];
	_ =	sdelay $0x3  }
0x36: {  	p1 =	seq.s32 s10, $0x1;
	s10 =	sld [smem:$0x3FAC];
	_ =	sdelay $0x3  }
0x37: {  	[smem:$0x3FAC] =	sst s10  }
0x38: {  	s10 =	sld [smem:$0x3FAD]  }
0x39: {  	_ = 	snop;
	(pc) =	sbr.ind lr, $3  }
0x3a: {  	_ = 	snop  }
0x3b: {  	_ = 	snop  }
0x3c: {  	p2 =	seq.s32 s10, $0x1;
	s10 =	sld [smem:$0x3FAC]  }
0x3d: {  	_ =	shalt  }
0x3e: {  	_ =	shalt  }
0x3f: {  	_ =	shalt  }
0x40: {  	_ =	shalt  }
0x41: {  	_ =	shalt  }
0x42: {  	_ =	shalt  }
0x43: {  	_ =	shalt  }
0x44: {  	_ =	shalt  }
0x45: {  	_ =	shalt  }
0x46: {  	_ =	shalt  }
0x47: {  	_ =	shalt  }
0x48: {  	_ =	shalt  }
0x49: {  	_ =	shalt  }
0x4a: {  	_ =	shalt  }
0x4b: {  	_ =	shalt  }
0x4c: {  	_ =	shalt  }
0x4d: {  	_ =	shalt  }
0x4e: {  	_ =	shalt  }
0x4f: {  	_ =	shalt  }
0x50: {  	_ =	shalt  }
0x51: {  	_ =	shalt  }
0x52: {  	_ =	shalt  }
0x53: {  	_ =	shalt  }
0x54: {  	_ =	shalt  }
0x55: {  	_ =	shalt  }
0x56: {  	_ =	shalt  }
0x57: {  	_ =	shalt  }
0x58: {  	_ =	shalt  }
0x59: {  	_ =	shalt  }
0x5a: {  	_ =	shalt  }
0x5b: {  	_ =	shalt  }
0x5c: {  	_ =	shalt  }
0x5d: {  	_ =	shalt  }
0x5e: {  	_ =	shalt  }
0x5f: {  	_ =	shalt  }
0x60: {  	_ =	shalt  }
0x61: {  	_ =	shalt  }
0x62: {  	_ =	shalt  }
0x63: {  	_ =	shalt  }
0x64: {  	_ =	shalt  }
0x65: {  	_ =	shalt  }
0x66: {  	_ =	shalt  }
0x67: {  	_ =	shalt  }
0x68: {  	_ =	shalt  }
0x69: {  	_ =	shalt  }
0x6a: {  	_ =	shalt  }
0x6b: {  	_ =	shalt  }
0x6c: {  	_ =	shalt  }
0x6d: {  	_ =	shalt  }
0x6e: {  	_ =	shalt  }
0x6f: {  	_ =	shalt  }
0x70: {  	_ =	shalt  }
0x71: {  	_ =	shalt  }
0x72: {  	_ =	shalt  }
0x73: {  	_ =	shalt  }
0x74: {  	_ =	shalt  }
0x75: {  	_ =	shalt  }
0x76: {  	_ =	shalt  }
0x77: {  	_ =	shalt  }
0x78: {  	_ =	shalt  }
0x79: {  	_ =	shalt  }
0x7a: {  	_ =	shalt  }
0x7b: {  	_ =	shalt  }
0x7c: {  	_ =	shalt  }
0x7d: {  	_ =	shalt  }
0x7e: {  	_ =	shalt  }
0x7f: {  	_ =	shalt  }
0x80: {  	_ =	shalt  }
0x81: {  	_ =	shalt  }
0x82: {  	_ =	shalt  }
0x83: {  	_ =	shalt  }
0x84: {  	_ =	shalt  }
0x85: {  	_ =	shalt  }
0x86: {  	_ =	shalt  }
0x87: {  	_ =	shalt  }
.Lfunc_end0:
.L_simem_size_0:
called_computation_lowered:
.L_overlay_start_0:
0x88: {  	s2 =	sld [smem:$0x3FD9]  }
0x89: {  	s3 =	sld [smem:$0x3FFE];
	_ =	sdelay $0x1  }
0x8a: {  	s1 =	srdreg.scid  }
0x8b: {  	s0 =	sand.u32 $0x1, s1  }
0x8c: {  	s17 =	sshll.u32 s0, $0xA;
	s2 =	sadd.s32 s3, s2  }
0x8d: {  	s2 =	sadd.s32 s2, s17  }
0x8e: {  	[smem:$0x3FB8] =	sst s2  }
0x8f: {  	_ = 	snop  }
0x90: {  	s2 =	sld [smem:$0x3FD0];
	(tm) =	ssettm $0x1  }
0x91: {  	s18 =	sld [smem:$0x3FFB];
	_ =	sdelay $0x3  }
0x92: {  	_ =	strace s18  }
0x93: {  	s3 =	sld [smem:$0x3FFC];
	_ =	sdelay $0x3  }
0x94: {  	_ =	strace s3  }
0x95: {  	s3 =	sld [smem:$0x3FFD];
	_ =	sdelay $0x3  }
0x96: {  	_ =	strace s3  }
0x97: {  	_ =	strace $0x8FFFFFFF  }
0x98: {  	s19 =	sld [smem:$0x3FDB];
	_ =	sdelay $0x1  }
0x99: {  	s4 =	simm.s32 $_scs_section_size  }
0x9a: {  	s5 =	simm.s32 $_size__tile_overlayer_lowered;
	s6 =	simm.s32 $_tile_overlayer_lowered  }
0x9b: {  	s22 =	simm.s32 $0x1BFF;
	s21 =	sshll.u32 s6, $0x1;
	s3 =	sadd.s32 s4, s19  }
0x9c: {  	s7 =	simm.s32 $0x0;
	s20 =	sshll.u32 s5, $0x1;
	s5 =	sadd.s32 s21, s3  }
0x9d: {  	[timem:s7], [sflag:s22] =	dma.local [hbm:s5], s20  }
0x9e: {  	_ =	swait.ge [sflag:s22], s20  }
0x9f: {  	s4 =	ssub.s32 $0x0, s20;
	[sflag:s22] =	ssyncset.done $0x0  }
0xa0: {  	[sflag:s22] =	ssyncadd.s32 s4;
	_ =	sdelay $0x1  }
0xa1: {  	s23 =	simm.s32 $0x1B8B  }
0xa2: {  	_ =	swait.ge [sflag:s23], $0x1  }
0xa3: {  	[sflag:s23] =	ssyncset.done $0x0  }
0xa4: {  	s25 =	simm.s32 $0x1B8E;
	s24 =	sld [smem:$0x3FFE];
	[sflag:s23] =	ssyncadd.s32 $0xFFFFFFFF  }
0xa5: {  	s26 =	simm.s32 $execute0_lowered;
	[smem:$0x3FD2] =	sst s25  }
0xa6: {  	s5 =	sshll.u32 s26, $0x1;
	_ =	strace $0x80000046;
	[dreg:$0x1] =	wrdreg $0xFFFFFFFF  }
0xa7: {  	s28 =	simm.s32 $_size_execute0_lowered;
	s3 =	sadd.s32 s3, s5;
	[dreg:$0x0] =	wrdreg $0x0  }
0xa8: {  	s5 =	sshll.u32 s28, $0x1;
	[dreg:$0x2] =	wrdreg s3  }
0xa9: {  	[dreg:$0x3] =	wrdreg s5  }
0xaa: {  	[dreg:$0x4] =	wrdreg $0xC0  }
0xab: {  	_ =	task [dreg:s7], $0x5FFFF  }
0xac: {  	[dreg:$0x1] =	wrdreg $0xFFFFFFFF  }
0xad: {  	[dreg:$0x0] =	wrdreg $0x60  }
0xae: {  	[dreg:$0x2] =	wrdreg s24  }
0xaf: {  	[dreg:$0x3] =	wrdreg s2  }
0xb0: {  	[dreg:$0x4] =	wrdreg $0x73000  }
0xb1: {  	[dreg:$0x5] =	wrdreg $0x9  }
0xb2: {  	_ =	task.clear_ibuf [dreg:s7], $0x6FFFF;
	_ =	strace $0x90000046  }
0xb3: {  	s29 =	simm.s32 $0x9;
	_ =	strace $0x80000048  }
0xb4: {  	_ =	swait.ge [sflag:s29], $0x1  }
0xb5: {  	[sflag:s29] =	ssyncadd.s32 $0xFFFFFFFF  }
0xb6: {  	_ =	strace $0x90000048  }
0xb7: {  	_ =	sfence  }
0xb8: {  	s30 =	sld [smem:$0x0];
	_ =	sdelay $0x2  }
0xb9: {  	s31 =	sshll.u32 s1, $0xD;
	s1 =	sshrl.u32 s1, $0x2  }
0xba: {  	s3 =	sand.u32 $0x4000, s31;
	s1 =	sadd.s32 s1, s30  }
0xbb: {  	s0 =	sor.u32 s3, s0;
	s1 =	sshll.u32 s1, $0x11  }
0xbc: {  	s0 =	sor.u32 s1, s0  }
0xbd: {  	s0 =	sadd.s32 $0x8F2B, s0  }
0xbe: {  	[sflag:s0] =	ssyncadd.remote.s32 $0x1  }
0xbf: {  	_ =	sfence.sel $0xFFFF  }
0xc0: {  	[dreg:$0x0] =	wrdreg $0xFFFFFFFF;
	(pc) =	sbr.abs _section_cstart, $3  }
0xc1: {  	[dreg:$0x1] =	wrdreg $0xFFFFFFFF  }
0xc2: {  	_ =	task.clear_ibuf [dreg:s7], $0x2FFFF;
	_ =	strace $0x9FFFFFFF  }
0xc3: {  	(tm) =	ssettm $0x7FFFFFFF  }
tec
execute0_lowered:
.L_overlay_start_1:
0x0: {  	(tag) =	ssettag $0x1  }
0x1: {  	s4 =	rddreg [dreg:$0x0]  }
0x2: {  	s7 =	rddreg [dreg:$0x1]  }
0x3: {  	s2 =	rddreg [dreg:$0x2]  }
0x4: {  	s0 =	rddreg [dreg:$0x3];
	s3 =	simm.s32 $0x0;
	s1 =	stileid.u32  }
0x5: {  	s6 =	srdreg.scid;
	s12 =	simm.s32 $0x80;
	s13 =	simm.s32 $0x7000  }
0x6: {  	s16 =	simm.s32 $0x20;
	s17 =	simm.s32 $0x10;
	s5 =	smul.u32 $0x3800, s1  }
0x7: {  	[smem:$0x7FF] =	sst s3;
	s8 =	smul.u32 $0xA00, s1;
	s9 =	sand.u32 $0x1, s6  }
0x8: {  	s28 =	smul.u32 $0x500, s1;
	s14 =	sshll.u32 s1, $0x6;
	_ =	strace $0x80000047  }
0x9: {  	s29 =	ssub.s32 $0x2, s9;
	s30 =	sshll.u32 s9, $0x7;
	p0 =	sne.s32 s9, $0x0  }
0xa: {  	s9 =	simm.s32 $0x7080;
	s14 =	sor.u32 $0x1C01, s14;
	s5 =	sshrl.u32 s5, $0x3  }
.Ltmp0:
0xb: {  	s11 =	sshrl.u32 s29, $0x1;
	s8 =	sshrl.u32 s8, $0x2;
	(pc) =	sbr.rel .LBB2_1-.Ltmp0, $4  }
0xc: {  	s10 =	sadd.s32 s5, s4;
	s5 =	sor.u32 s30, s28;
	s11 =	ssub.s32 s29, s11  }
0xd: {  	s4 =	sadd.s32 s8, s2;
	s31 =	sshrl.u32 s5, $0x3;
	s5 =	sadd.s32 $0x3200, s10  }
0xe: {  	s6 =	sadd.s32 $0xA200, s10;
	s8 =	smax.u32 s11, $0x1;
	s10 =	simm.s32 $0x1  }
0xf: {  	v0 =	vimm.f32 $1.000000000e+00;
	v1 =	vimm.f32 $0.0e+00;
	s11 =	simm.s32 $0x3800;
	s15 =	sshrl.u32 s4, $0x3;
	s7 =	sadd.s32 s7, s31  }
.LBB2_7:
0x10: {  	[bflag:$0x0] =	sbarrier.arrive $0xFFFF  }
.LBB2_8:
0x11: {  	s3 =	sadd.s32 $0x1, s3  }
0x12: {  	p1 =	sne.s32 s3, s8  }
.Ltmp1:
0x13: {  	[bflag:$0x0] =	sbarrier.arrive $0xFFFF;
	(pc) =	sbr.rel @!p1 .LBB2_9-.Ltmp1, $4  }
0x14: {  	[hbm:s7@s16], [sflag:s14] =	dma.strided [spmem:s15@s17], $0x50, s10, $0x10   }
0x15: {  	_ =	swait.ge [sflag:s10], $0x50  }
0x16: {  	[sflag:s10] =	ssyncset.done $0x0  }
0x17: {  	[sflag:s10] =	ssyncadd.s32 $0xFFFFFFB0  }
.LBB2_1:
0x18: {  	[tilespmem:$0x7000] =	vst v0  }
0x19: {  	[tilespmem:$0x7010] =	vst v0  }
0x1a: {  	[tilespmem:$0x7020] =	vst v0  }
0x1b: {  	[tilespmem:$0x7030] =	vst v0  }
0x1c: {  	[tilespmem:$0x7040] =	vst v0  }
0x1d: {  	[tilespmem:$0x7050] =	vst v0  }
0x1e: {  	[tilespmem:$0x7060] =	vst v0  }
0x1f: {  	[tilespmem:$0x7070] =	vst v0  }
0x20: {  	[tilespmem:$0x7080] =	vst v1  }
0x21: {  	[tilespmem:$0x7090] =	vst v1  }
0x22: {  	[tilespmem:$0x70A0] =	vst v1  }
0x23: {  	[tilespmem:$0x70B0] =	vst v1  }
0x24: {  	[tilespmem:$0x70C0] =	vst v1  }
0x25: {  	[tilespmem:$0x70D0] =	vst v1  }
0x26: {  	[tilespmem:$0x70E0] =	vst v1  }
0x27: {  	[tilespmem:$0x70F0] =	vst v1  }
0x28: {  	[tilespmem:$0x7100] =	vst v1  }
0x29: {  	[tilespmem:$0x7110] =	vst v1  }
0x2a: {  	[tilespmem:$0x7120] =	vst v1  }
0x2b: {  	[tilespmem:$0x7130] =	vst v1  }
0x2c: {  	[tilespmem:$0x7140] =	vst v1  }
0x2d: {  	[tilespmem:$0x7150] =	vst v1  }
0x2e: {  	[tilespmem:$0x7160] =	vst v1  }
0x2f: {  	[tilespmem:$0x7170] =	vst v1  }
0x30: {  	[tilespmem:$0x7180] =	vst v1  }
0x31: {  	[tilespmem:$0x7190] =	vst v1  }
0x32: {  	[tilespmem:$0x71A0] =	vst v1  }
0x33: {  	[tilespmem:$0x71B0] =	vst v1  }
0x34: {  	[tilespmem:$0x71C0] =	vst v1  }
0x35: {  	[tilespmem:$0x71D0] =	vst v1  }
0x36: {  	[tilespmem:$0x71E0] =	vst v1  }
0x37: {  	[tilespmem:$0x71F0] =	vst v1  }
0x38: {  	[tilespmem:$0x7200] =	vst v1  }
0x39: {  	[tilespmem:$0x7210] =	vst v1  }
0x3a: {  	[tilespmem:$0x7220] =	vst v1  }
0x3b: {  	[tilespmem:$0x7230] =	vst v1  }
0x3c: {  	[tilespmem:$0x7240] =	vst v1  }
0x3d: {  	[tilespmem:$0x7250] =	vst v1  }
0x3e: {  	[tilespmem:$0x7260] =	vst v1  }
0x3f: {  	[tilespmem:$0x7270] =	vst v1  }
0x40: {  	[tilespmem:$0x7280] =	vst v1  }
0x41: {  	[tilespmem:$0x7290] =	vst v1  }
0x42: {  	[tilespmem:$0x72A0] =	vst v1  }
0x43: {  	[tilespmem:$0x72B0] =	vst v1  }
0x44: {  	[tilespmem:$0x72C0] =	vst v1  }
0x45: {  	[tilespmem:$0x72D0] =	vst v1  }
0x46: {  	[tilespmem:$0x72E0] =	vst v1  }
.Ltmp2:
0x47: {  	[tilespmem:$0x72F0] =	vst v1;
	(pc) =	sbr.rel @p0 .LBB2_7-.Ltmp2, $4  }
0x48: {  	[spmem:s4] =	stream.linear.scatter [tilespmem:s9], [sflag:$0x1], $0x280, $0x38;
	[tilespmem:$0x7580] =	vst v63  }
0x49: {  	_ =	swait.ge [sflag:s10], $0x280  }
0x4a: {  	[sflag:s10] =	ssyncset.done $0x0  }
0x4b: {  	[sflag:s10] =	ssyncadd.s32 $0xFFFFFD80  }
0x4c: {  	s18 =	simm.s32 $0x0  }
0x4d: {  	[tilespmem:s18], [sflag:$0x1] =	stream.linear.gather [hbm4b:s5+s18], $0x3700, $0x38;
	[tilespmem:$0x7580] =	vst v63  }
0x4e: {  	_ =	swait.ge [sflag:s10], $0x3700  }
0x4f: {  	[sflag:s10] =	ssyncset.done $0x0  }
0x50: {  	[sflag:s10] =	ssyncadd.s32 $0xFFFFC900  }
0x51: {  	[tilespmem:s11], [sflag:$0x1] =	stream.linear.gather [hbm4b:s6+s18], $0x3700, $0x38;
	[tilespmem:$0x7580] =	vst v63  }
0x52: {  	_ =	swait.ge [sflag:s10], $0x3700  }
0x53: {  	[sflag:s10] =	ssyncset.done $0x0  }
0x54: {  	[sflag:s10] =	ssyncadd.s32 $0xFFFFC900  }
0x55: {  	s31 =	simm.s32 $0x0;
	[bflag:$0x0] =	sbarrier.arrive $0xFFFF  }
0x56: {  	[spmem:s2] =	stream.indirect.scatter.add.f32 [tilespmem:s13], [sflag:$0x1], $0x1, s31, s12, $0xb8;
	[tilespmem:$0x7580] =	vst v63  }
0x57: {  	_ =	swait.ge [sflag:s10], $0x80  }
0x58: {  	s18 =	simm.s32 $0x200;
	[sflag:s10] =	ssyncset.done $0x0  }
.LBB2_3:
0x59: {  	s19 =	sshra.s32 s18, $0x2;
	[sflag:s10] =	ssyncadd.s32 $0xFFFFFF80;
	p1 =	sne.s32 s18, $0xDA00  }
0x5a: {  	[spmem:s2] =	stream.indirect.scatter.add.f32 [tilespmem:s13], [sflag:$0x1], $0x1, s19, s12, $0xb8;
	[tilespmem:$0x7580] =	vst v63  }
.Ltmp3:
0x5b: {  	_ = 	snop;
	(pc) =	sbr.rel @p1 .LBB2_3-.Ltmp3, $4  }
0x5c: {  	_ = 	snop  }
0x5d: {  	s18 =	sadd.s32 $0x200, s18  }
0x5e: {  	_ =	swait.ge [sflag:s10], $0x80  }
0x5f: {  	[sflag:s10] =	ssyncset.done $0x0  }
0x60: {  	[sflag:s10] =	ssyncadd.s32 $0xFFFFFF80;
	s18 =	simm.s32 $0x3800  }
0x61: {  	[spmem:s2] =	stream.indirect.scatter.add.f32 [tilespmem:s13], [sflag:$0x1], $0x1, s18, s12, $0xb8;
	[tilespmem:$0x7580] =	vst v63  }
0x62: {  	s18 =	simm.s32 $0x200;
	_ =	swait.ge [sflag:s10], $0x80  }
.LBB2_5:
0x63: {  	s19 =	sshra.s32 s18, $0x2;
	[sflag:s10] =	ssyncset.done $0x0;
	p1 =	seq.s32 s18, $0x5E00  }
.Ltmp4:
0x64: {  	s19 =	sadd.s32 $0x3800, s19;
	[sflag:s10] =	ssyncadd.s32 $0xFFFFFF80;
	(pc) =	sbr.rel @!p1 .LBB2_5-.Ltmp4, $3  }
0x65: {  	[spmem:s2] =	stream.indirect.scatter.add.f32 [tilespmem:s13], [sflag:$0x1], $0x1, s19, s12, $0xb8;
	[tilespmem:$0x7580] =	vst v63  }
0x66: {  	s18 =	sadd.s32 $0x200, s18;
	_ =	sdelay $0x1  }
0x67: {  	_ =	swait.ge [sflag:s10], $0x80  }
.Ltmp5:
0x68: {  	(pc) =	sbr.rel .LBB2_8-.Ltmp5, $3  }
0x69: {  	_ =	sdelay $0x1  }
0x6a: {  	[sflag:s10] =	ssyncset.done $0x0  }
0x6b: {  	[sflag:s10] =	ssyncadd.s32 $0xFFFFFF80  }
.LBB2_9:
0x6c: {  	_ =	sfence.sel $0x180000  }
0x6d: {  	[bflag:$0x0] =	sbarrier.arrive $0xFFFF  }
0x6e: {  	p0 =	sne.s32 s1, $0x0;
	_ =	strace $0x90000047  }
0x6f: {  	s0 =	sadd.s32 @!p0 $0x100000, s0;
	[bflag:$0x2] =	sbarrier.arrive $0xFFFF  }
0x70: {  	[sflag:s0] =	ssyncadd.tile.s32 @!p0 $0x1;
	_ =	shalt  }
.Lfunc_end2:
_tile_overlayer_lowered:
.L_overlay_start_2:
0x71: {  	(tag) =	ssettag $0x2  }
0x72: {  	s0 =	rddreg [dreg:$0x0];
	s2 =	stileid.u32  }
0x73: {  	s1 =	rddreg [dreg:$0x1];
	p0 =	sne.s32 s2, $0x0  }
0x74: {  	s3 =	rddreg [dreg:$0x2];
	[bflag:$0x3] =	sbarrier.arrive $0xFFFF;
	s2 =	simm.s32 @!p0 $0x1C01  }
0x75: {  	[timem:s3], [sflag:s2] =	dma.local @!p0 [hbm:s0], s1  }
0x76: {  	s0 =	simm.s32 @!p0 $0x1  }
0x77: {  	_ =	swait.ge @!p0 [sflag:s0], s1  }
0x78: {  	s1 =	ssub.s32 @!p0 $0x0, s1;
	[sflag:s0] =	ssyncset.done @!p0 $0x0  }
0x79: {  	[sflag:s0] =	ssyncadd.s32 @!p0 s1  }
0x7a: {  	[bflag:$0x3] =	sbarrier.arrive $0xFFFF  }
0x7b: {  	_ =	shalt  }

// kernel: kernel.13.cloned.1.call-start
scs
__scs_entry_jumppad:
0x0: {  	(pc) =	sbr.rel $0x88, $3  }
0x1: {  	(tag) =	ssettag $0x0;
	lr =	simm.s32 $0x1  }
0x2: {  	[smem:$0x3F91] =	sst lr;
	_ =	strace $0xD0000000  }
0x3: {  	_ = 	snop  }
0x4: {  	_ = 	snop  }
0x5: {  	_ = 	snop  }
0x6: {  	_ = 	snop  }
0x7: {  	_ = 	snop  }
__scs_overlays_trampoline_lowered:
0x8: {  	[smem:$0x3FA0] =	sst s0  }
0x9: {  	[smem:$0x3FA1] =	sst s1  }
0xa: {  	[smem:$0x3FA2] =	sst s2  }
0xb: {  	[smem:$0x3FA3] =	sst s3  }
0xc: {  	[smem:$0x3FA4] =	sst s4  }
0xd: {  	[smem:$0x3FA5] =	sst s5  }
0xe: {  	[smem:$0x3FA6] =	sst s6  }
0xf: {  	[smem:$0x3FA7] =	sst s7  }
0x10: {  	[smem:$0x3FA8] =	sst s8  }
0x11: {  	[smem:$0x3FA9] =	sst s9;
	s0 =	simm.s32 @!p0 $0x0  }
0x12: {  	s1 =	sld [smem:$0x3F8F];
	s0 =	simm.s32 @p0 $0x1  }
0x13: {  	[smem:$0x3FAA] =	sst s0;
	s0 =	simm.s32 @!p1 $0x0  }
0x14: {  	s2 =	sld [smem:$0x3F8E];
	s0 =	simm.s32 @p1 $0x1  }
0x15: {  	[smem:$0x3FAB] =	sst s0;
	s0 =	simm.s32 @!p2 $0x0  }
0x16: {  	s3 =	sld [smem:$0x3FDB];
	s0 =	simm.s32 @p2 $0x1  }
0x17: {  	s4 =	simm.s32 $0x1BF5;
	[smem:$0x3FAD] =	sst s0  }
0x18: {  	s0 =	sld [smem:$0x3F90];
	_ =	swait.ge [sflag:s4], $0x0  }
0x19: {  	s7 =	sld [smem:$0x3F91]  }
0x1a: {  	s8 =	sadd.s32 $0xFFFFE003, lr  }
0x1b: {  	s9 =	sadd.s32 $0xFFFFFEF7, lr;
	s5 =	simm.s32 $0xFFFFFFFF;
	p2 =	slt.u32 s8, $0xFFFFF086  }
0x1c: {  	p1 =	slt.u32 s9, $0xF7A;
	s5 =	simm.s32 @!p2 $0x0  }
0x1d: {  	s5 =	simm.s32 @p1 $0x1;
	p0 =	seq.s32 s7, s2  }
0x1e: {  	s7 =	smul.u32 @!p0 $0xF7A, s2;
	p2 =	seq.s32 @!p0 s5, $0x0  }
0x1f: {  	s9 =	smul.u32 $0xF7A, s1;
	s8 =	simm.s32 @!p0 $0x1BF5;
	p2 =	por !p2, p0  }
0x20: {  	[sflag:s8] =	ssyncset.s32 @!p0 $0xFFFFF086;
	s6 =	sadd.s32 @!p0 s3, s7;
	s7 =	simm.s32 @!p0 $0x108  }
0x21: {  	s3 =	sadd.s32 s3, s9;
	s6 =	sadd.s32 @!p0 $0x88, s6;
	s7 =	simm.s32 @p2 $0x1082  }
0x22: {  	[simem:s7], [sflag:s8] =	dma.local @!p0 [hbm:s6], $0xF7A  }
0x23: {  	s9 =	sor.u32 $0xD0000000, s2;
	s6 =	simm.s32 $0x108;
	_ =	swait.ge @!p0 [sflag:s8], $0x0  }
0x24: {  	s3 =	sadd.s32 $0x88, s3;
	s6 =	simm.s32 @!p1 $0x1082;
	[sflag:s4] =	ssyncset.s32 $0xFFFFF086  }
0x25: {  	[simem:s6], [sflag:s4] =	dma.local [hbm:s3], $0xF7A  }
0x26: {  	[smem:$0x3F91] =	sst s1;
	(tag) =	ssettag s2;
	_ =	strace s9  }
0x27: {  	s1 =	sld [smem:$0x3FA1]  }
0x28: {  	s2 =	sld [smem:$0x3FA2]  }
0x29: {  	s4 =	sld [smem:$0x3FA4]  }
0x2a: {  	p0 =	seq.s32 s5, $0x0;
	s5 =	sld [smem:$0x3FA5]  }
0x2b: {  	s6 =	sld [smem:$0x3FA6]  }
0x2c: {  	s7 =	sld [smem:$0x3FA7]  }
0x2d: {  	s3 =	simm.s32 $0x108;
	s8 =	sld [smem:$0x3FA8]  }
0x2e: {  	s3 =	simm.s32 @!p0 $0x1082;
	s9 =	sld [smem:$0x3FA9]  }
0x2f: {  	lr =	sadd.s32 s0, s3;
	s0 =	sld [smem:$0x3FA0]  }
0x30: {  	s3 =	sld [smem:$0x3FA3]  }
0x31: {  	[smem:$0x3FAC] =	sst s10  }
0x32: {  	s10 =	sld [smem:$0x3FAA];
	_ =	sdelay $0x3  }
0x33: {  	p0 =	seq.s32 s10, $0x1;
	s10 =	sld [smem:$0x3FAC];
	_ =	sdelay $0x3  }
0x34: {  	[smem:$0x3FAC] =	sst s10  }
0x35: {  	s10 =	sld [smem:$0x3FAB];
	_ =	sdelay $0x3  }
0x36: {  	p1 =	seq.s32 s10, $0x1;
	s10 =	sld [smem:$0x3FAC];
	_ =	sdelay $0x3  }
0x37: {  	[smem:$0x3FAC] =	sst s10  }
0x38: {  	s10 =	sld [smem:$0x3FAD]  }
0x39: {  	_ = 	snop;
	(pc) =	sbr.ind lr, $3  }
0x3a: {  	_ = 	snop  }
0x3b: {  	_ = 	snop  }
0x3c: {  	p2 =	seq.s32 s10, $0x1;
	s10 =	sld [smem:$0x3FAC]  }
0x3d: {  	_ =	shalt  }
0x3e: {  	_ =	shalt  }
0x3f: {  	_ =	shalt  }
0x40: {  	_ =	shalt  }
0x41: {  	_ =	shalt  }
0x42: {  	_ =	shalt  }
0x43: {  	_ =	shalt  }
0x44: {  	_ =	shalt  }
0x45: {  	_ =	shalt  }
0x46: {  	_ =	shalt  }
0x47: {  	_ =	shalt  }
0x48: {  	_ =	shalt  }
0x49: {  	_ =	shalt  }
0x4a: {  	_ =	shalt  }
0x4b: {  	_ =	shalt  }
0x4c: {  	_ =	shalt  }
0x4d: {  	_ =	shalt  }
0x4e: {  	_ =	shalt  }
0x4f: {  	_ =	shalt  }
0x50: {  	_ =	shalt  }
0x51: {  	_ =	shalt  }
0x52: {  	_ =	shalt  }
0x53: {  	_ =	shalt  }
0x54: {  	_ =	shalt  }
0x55: {  	_ =	shalt  }
0x56: {  	_ =	shalt  }
0x57: {  	_ =	shalt  }
0x58: {  	_ =	shalt  }
0x59: {  	_ =	shalt  }
0x5a: {  	_ =	shalt  }
0x5b: {  	_ =	shalt  }
0x5c: {  	_ =	shalt  }
0x5d: {  	_ =	shalt  }
0x5e: {  	_ =	shalt  }
0x5f: {  	_ =	shalt  }
0x60: {  	_ =	shalt  }
0x61: {  	_ =	shalt  }
0x62: {  	_ =	shalt  }
0x63: {  	_ =	shalt  }
0x64: {  	_ =	shalt  }
0x65: {  	_ =	shalt  }
0x66: {  	_ =	shalt  }
0x67: {  	_ =	shalt  }
0x68: {  	_ =	shalt  }
0x69: {  	_ =	shalt  }
0x6a: {  	_ =	shalt  }
0x6b: {  	_ =	shalt  }
0x6c: {  	_ =	shalt  }
0x6d: {  	_ =	shalt  }
0x6e: {  	_ =	shalt  }
0x6f: {  	_ =	shalt  }
0x70: {  	_ =	shalt  }
0x71: {  	_ =	shalt  }
0x72: {  	_ =	shalt  }
0x73: {  	_ =	shalt  }
0x74: {  	_ =	shalt  }
0x75: {  	_ =	shalt  }
0x76: {  	_ =	shalt  }
0x77: {  	_ =	shalt  }
0x78: {  	_ =	shalt  }
0x79: {  	_ =	shalt  }
0x7a: {  	_ =	shalt  }
0x7b: {  	_ =	shalt  }
0x7c: {  	_ =	shalt  }
0x7d: {  	_ =	shalt  }
0x7e: {  	_ =	shalt  }
0x7f: {  	_ =	shalt  }
0x80: {  	_ =	shalt  }
0x81: {  	_ =	shalt  }
0x82: {  	_ =	shalt  }
0x83: {  	_ =	shalt  }
0x84: {  	_ =	shalt  }
0x85: {  	_ =	shalt  }
0x86: {  	_ =	shalt  }
0x87: {  	_ =	shalt  }
.Lfunc_end0:
.L_simem_size_0:
called_computation.1_lowered:
.L_overlay_start_0:
0x88: {  	s2 =	sld [smem:$0x3FD9]  }
0x89: {  	s3 =	sld [smem:$0x3FFE];
	_ =	sdelay $0x1  }
0x8a: {  	s1 =	srdreg.scid  }
0x8b: {  	s0 =	sand.u32 $0x1, s1  }
0x8c: {  	s16 =	sshll.u32 s0, $0xA;
	s2 =	sadd.s32 s3, s2  }
0x8d: {  	s2 =	sadd.s32 s2, s16  }
0x8e: {  	[smem:$0x3FB8] =	sst s2  }
0x8f: {  	_ = 	snop  }
0x90: {  	(tm) =	ssettm $0x1  }
0x91: {  	s17 =	sld [smem:$0x3FFB];
	_ =	sdelay $0x3  }
0x92: {  	_ =	strace s17  }
0x93: {  	s2 =	sld [smem:$0x3FFC];
	_ =	sdelay $0x3  }
0x94: {  	_ =	strace s2  }
0x95: {  	s2 =	sld [smem:$0x3FFD];
	_ =	sdelay $0x3  }
0x96: {  	_ =	strace s2  }
0x97: {  	_ =	strace $0x8FFFFFFF  }
0x98: {  	s18 =	sld [smem:$0x3FDB];
	_ =	sdelay $0x1  }
0x99: {  	s19 =	simm.s32 $_scs_section_size  }
0x9a: {  	s4 =	simm.s32 $_size__tile_overlayer_lowered;
	s5 =	simm.s32 $_tile_overlayer_lowered  }
0x9b: {  	s22 =	simm.s32 $0x1BFF;
	s21 =	sshll.u32 s5, $0x1;
	s2 =	sadd.s32 s19, s18  }
0x9c: {  	s6 =	simm.s32 $0x0;
	s20 =	sshll.u32 s4, $0x1;
	s4 =	sadd.s32 s21, s2  }
0x9d: {  	[timem:s6], [sflag:s22] =	dma.local [hbm:s4], s20  }
0x9e: {  	_ =	swait.ge [sflag:s22], s20  }
0x9f: {  	s3 =	ssub.s32 $0x0, s20;
	[sflag:s22] =	ssyncset.done $0x0  }
0xa0: {  	[sflag:s22] =	ssyncadd.s32 s3;
	_ =	sdelay $0x1  }
0xa1: {  	s23 =	simm.s32 $0x1B8B  }
0xa2: {  	_ =	swait.ge [sflag:s23], $0x1  }
0xa3: {  	[sflag:s23] =	ssyncset.done $0x0  }
0xa4: {  	s25 =	simm.s32 $0x1B8E;
	s24 =	sld [smem:$0x3FFE];
	[sflag:s23] =	ssyncadd.s32 $0xFFFFFFFF  }
0xa5: {  	s26 =	simm.s32 $execute0_lowered;
	[smem:$0x3FD2] =	sst s25  }
0xa6: {  	s4 =	sshll.u32 s26, $0x1;
	_ =	strace $0x80000049;
	[dreg:$0x1] =	wrdreg $0xFFFFFFFF  }
0xa7: {  	s28 =	simm.s32 $_size_execute0_lowered;
	s2 =	sadd.s32 s2, s4;
	[dreg:$0x0] =	wrdreg $0x0  }
0xa8: {  	s4 =	sshll.u32 s28, $0x1;
	[dreg:$0x2] =	wrdreg s2  }
0xa9: {  	[dreg:$0x3] =	wrdreg s4  }
0xaa: {  	[dreg:$0x4] =	wrdreg $0xC0  }
0xab: {  	_ =	task [dreg:s6], $0x5FFFF  }
0xac: {  	[dreg:$0x1] =	wrdreg $0xFFFFFFFF  }
0xad: {  	[dreg:$0x0] =	wrdreg $0x60  }
0xae: {  	[dreg:$0x2] =	wrdreg s24  }
0xaf: {  	[dreg:$0x3] =	wrdreg $0xB8000  }
0xb0: {  	[dreg:$0x4] =	wrdreg $0x9  }
0xb1: {  	_ =	task.clear_ibuf [dreg:s6], $0x5FFFF;
	_ =	strace $0x90000049  }
0xb2: {  	s29 =	simm.s32 $0x9;
	_ =	strace $0x8000004B  }
0xb3: {  	_ =	swait.ge [sflag:s29], $0x1  }
0xb4: {  	[sflag:s29] =	ssyncadd.s32 $0xFFFFFFFF  }
0xb5: {  	_ =	strace $0x9000004B  }
0xb6: {  	_ =	sfence  }
0xb7: {  	s30 =	sld [smem:$0x0];
	_ =	sdelay $0x2  }
0xb8: {  	s31 =	sshll.u32 s1, $0xD;
	s1 =	sshrl.u32 s1, $0x2  }
0xb9: {  	s3 =	sand.u32 $0x4000, s31;
	s1 =	sadd.s32 s1, s30  }
0xba: {  	s0 =	sor.u32 s3, s0;
	s1 =	sshll.u32 s1, $0x11  }
0xbb: {  	s0 =	sor.u32 s1, s0  }
0xbc: {  	s0 =	sadd.s32 $0x8F2B, s0  }
0xbd: {  	[sflag:s0] =	ssyncadd.remote.s32 $0x1  }
0xbe: {  	_ =	sfence.sel $0xFFFF  }
0xbf: {  	[dreg:$0x0] =	wrdreg $0xFFFFFFFF;
	(pc) =	sbr.abs _section_cstart, $3  }
0xc0: {  	[dreg:$0x1] =	wrdreg $0xFFFFFFFF  }
0xc1: {  	_ =	task.clear_ibuf [dreg:s6], $0x2FFFF;
	_ =	strace $0x9FFFFFFF  }
0xc2: {  	(tm) =	ssettm $0x7FFFFFFF  }
0xc3: {  	_ =	shalt  }
tec
execute0_lowered:
.L_overlay_start_1:
0x0: {  	(tag) =	ssettag $0x1  }
0x1: {  	s5 =	rddreg [dreg:$0x0]  }
0x2: {  	s0 =	srdreg.scid;
	s2 =	rddreg [dreg:$0x1]  }
0x3: {  	s1 =	rddreg [dreg:$0x2];
	s6 =	sand.u32 $0x1, s0  }
0x4: {  	s3 =	simm.s32 $0x0;
	s0 =	stileid.u32;
	s4 =	smul.u32 $0x3C000, s6  }
0x5: {  	s15 =	simm.s32 $0x2;
	s16 =	simm.s32 $0x7800;
	s7 =	smul.u32 $0x3C00, s0  }
0x6: {  	s17 =	simm.s32 $0x80;
	s18 =	simm.s32 $0x1;
	s8 =	smul.u32 $0x140000, s6  }
0x7: {  	s20 =	simm.s32 $0x0;
	[smem:$0x7FF] =	sst s3;
	s9 =	smul.u32 $0x14000, s0  }
0x8: {  	_ =	strace $0x8000004A;
	s29 =	ssub.s32 $0x2, s6;
	s31 =	smul.u32 $0x50000, s0  }
0x9: {  	p0 =	seq.s32 s6, $0x0;
	s19 =	sshll.u32 s0, $0x6;
	s30 =	sshrl.u32 s29, $0x1  }
0xa: {  	s19 =	sor.u32 $0x1C02, s19;
	s7 =	sadd.s32 s7, s4;
	s8 =	sadd.s32 s9, s8  }
0xb: {  	s4 =	sadd.s32 $0x2F200, s5;
	s7 =	sshrl.u32 s7, $0x3;
	s8 =	sshrl.u32 s8, $0x3  }
0xc: {  	s7 =	sadd.s32 s7, s5;
	s10 =	sadd.s32 s8, s5;
	s5 =	simm.s32 $0x76  }
0xd: {  	s11 =	ssub.s32 s29, s30;
	s8 =	sshrl.u32 s31, $0x2;
	s5 =	simm.s32 @!p0 $0x28  }
0xe: {  	s6 =	sadd.s32 $0x11200, s7;
	s7 =	sadd.s32 $0x20200, s7;
	s8 =	sadd.s32 s8, s2  }
0xf: {  	s9 =	sadd.s32 $0x56400, s10;
	s10 =	smax.u32 s11, $0x1;
	s11 =	sadd.s32 $0x4000, s8  }
0x10: {  	v0 =	vimm.f32 $0.0e+00;
	s12 =	sadd.s32 $0x8000, s8;
	s13 =	sadd.s32 $0xC000, s8;
	s14 =	sadd.s32 $0x10000, s8  }
.LBB2_1:
0x11: {  	s21 =	sand.u32 $0xFE00, s3  }
0x12: {  	s22 =	sand.u32 $0x70, s3;
	s23 =	sshrl.u32 s21, $0x2  }
0x13: {  	s21 =	simm.s32 $0x40;
	s23 =	sor.u32 s22, s23;
	s22 =	simm.s32 $0x0  }
.LBB2_2:
0x14: {  	p0 =	sne.s32 s21, $0xFFC0  }
0x15: {  	[tilespmem:s23+$0x7800] =	vst v0;
	s22 =	sadd.s32 $0x10, s22;
	s23 =	smov.u32 s21;
	s21 =	sadd.s32 $0x40, s21  }
.Ltmp0:
0x16: {  	(pc) =	sbr.rel @p0 .LBB2_2-.Ltmp0, $4  }
0x17: {  	_ = 	snop  }
0x18: {  	s23 =	sand.u32 $0xFE00, s23  }
0x19: {  	s24 =	sand.u32 $0x70, s22;
	s23 =	sshrl.u32 s23, $0x2  }
0x1a: {  	s23 =	sor.u32 s24, s23  }
0x1b: {  	[tilespmem:s23+$0x7800] =	vst v0;
	s21 =	simm.s32 $0x0  }
0x1c: {  	[tilespmem:s21], [sflag:$0x2] =	stream.linear.gather [hbm4b:s6+s21], $0x3B00, $0x38;
	[tilespmem:$0x1F800] =	vst v63  }
0x1d: {  	_ =	swait.ge [sflag:s15], $0x3B00  }
0x1e: {  	[sflag:s15] =	ssyncset.done $0x0  }
0x1f: {  	s22 =	simm.s32 $0x3C00;
	[sflag:s15] =	ssyncadd.s32 $0xFFFFC500  }
0x20: {  	[tilespmem:s22], [sflag:$0x2] =	stream.linear.gather [hbm4b:s7+s21], $0x3B00, $0x38;
	[tilespmem:$0x1F800] =	vst v63  }
0x21: {  	_ =	swait.ge [sflag:s15], $0x3B00  }
0x22: {  	[sflag:s15] =	ssyncset.done $0x0  }
0x23: {  	[sflag:s15] =	ssyncadd.s32 $0xFFFFC500  }
0x24: {  	[spmem:s8] =	stream.linear.scatter [tilespmem:s16], [sflag:$0x2], $0x4000, $0x38;
	[tilespmem:$0x1F800] =	vst v63  }
0x25: {  	_ =	swait.ge [sflag:s15], $0x4000  }
0x26: {  	[sflag:s15] =	ssyncset.done $0x0  }
0x27: {  	[sflag:s15] =	ssyncadd.s32 $0xFFFFC000  }
0x28: {  	[spmem:s11] =	stream.linear.scatter [tilespmem:s16], [sflag:$0x2], $0x4000, $0x38;
	[tilespmem:$0x1F800] =	vst v63  }
0x29: {  	_ =	swait.ge [sflag:s15], $0x4000  }
0x2a: {  	[sflag:s15] =	ssyncset.done $0x0  }
0x2b: {  	[sflag:s15] =	ssyncadd.s32 $0xFFFFC000  }
0x2c: {  	[spmem:s12] =	stream.linear.scatter [tilespmem:s16], [sflag:$0x2], $0x4000, $0x38;
	[tilespmem:$0x1F800] =	vst v63  }
0x2d: {  	_ =	swait.ge [sflag:s15], $0x4000  }
0x2e: {  	[sflag:s15] =	ssyncset.done $0x0  }
0x2f: {  	[sflag:s15] =	ssyncadd.s32 $0xFFFFC000  }
0x30: {  	[spmem:s13] =	stream.linear.scatter [tilespmem:s16], [sflag:$0x2], $0x4000, $0x38;
	[tilespmem:$0x1F800] =	vst v63  }
0x31: {  	_ =	swait.ge [sflag:s15], $0x4000  }
0x32: {  	[sflag:s15] =	ssyncset.done $0x0  }
0x33: {  	[sflag:s15] =	ssyncadd.s32 $0xFFFFC000  }
0x34: {  	[spmem:s14] =	stream.linear.scatter [tilespmem:s16], [sflag:$0x2], $0x4000, $0x38;
	[tilespmem:$0x1F800] =	vst v63  }
0x35: {  	_ =	swait.ge [sflag:s15], $0x4000  }
0x36: {  	[sflag:s15] =	ssyncset.done $0x0  }
0x37: {  	[sflag:s15] =	ssyncadd.s32 $0xFFFFC000  }
0x38: {  	[bflag:$0x0] =	sbarrier.arrive $0xFFFF  }
0x39: {  	[tilespmem:s16], [sflag:$0x1] =	stream.indirect.gather [hbm4b:s4+s17], $0x80, s21, s17, $0xb8;
	[tilespmem:$0x1F800] =	vst v63  }
0x3a: {  	p0 =	sne.s32 s5, $0x1;
	_ =	swait.ge [sflag:s18], $0x4000  }
.Ltmp1:
0x3b: {  	[sflag:s18] =	ssyncset.done $0x0;
	(pc) =	sbr.rel @!p0 .LBB2_5-.Ltmp1, $4  }
0x3c: {  	[sflag:s18] =	ssyncadd.s32 $0xFFFFC000  }
0x3d: {  	[spmem:s2] =	stream.indirect.scatter.add.f32 [tilespmem:s16], [sflag:$0x2], $0x80, s22, s17, $0xb8;
	[tilespmem:$0x1F800] =	vst v63  }
0x3e: {  	_ =	swait.ge [sflag:s15], $0x4000  }
0x3f: {  	s23 =	sadd.s32 $0xFFFFFFFF, s5;
	[sflag:s15] =	ssyncset.done $0x0  }
.LBB2_4:
0x40: {  	[sflag:s15] =	ssyncadd.s32 $0xFFFFC000;
	s21 =	sadd.s32 $0x80, s21;
	s22 =	sadd.s32 $0x80, s22  }
0x41: {  	[tilespmem:s16], [sflag:$0x1] =	stream.indirect.gather [hbm4b:s4+s17], $0x80, s21, s17, $0xb8;
	[tilespmem:$0x1F800] =	vst v63  }
0x42: {  	p0 =	sne.s32 s23, $0x1;
	s23 =	sadd.s32 $0xFFFFFFFF, s23;
	_ =	swait.ge [sflag:s18], $0x4000  }
.Ltmp2:
0x43: {  	[sflag:s18] =	ssyncset.done $0x0;
	(pc) =	sbr.rel @p0 .LBB2_4-.Ltmp2, $4  }
0x44: {  	[sflag:s18] =	ssyncadd.s32 $0xFFFFC000  }
0x45: {  	[spmem:s2] =	stream.indirect.scatter.add.f32 [tilespmem:s16], [sflag:$0x2], $0x80, s22, s17, $0xb8;
	[tilespmem:$0x1F800] =	vst v63  }
0x46: {  	_ =	swait.ge [sflag:s15], $0x4000  }
0x47: {  	[sflag:s15] =	ssyncset.done $0x0  }
.LBB2_5:
0x48: {  	s20 =	sadd.s32 $0x1, s20  }
0x49: {  	[sflag:s15] =	ssyncadd.s32 $0xFFFFC000;
	p0 =	sne.s32 s20, s10  }
.Ltmp3:
0x4a: {  	s21 =	sshrl.u32 s8, $0x3;
	[bflag:$0x0] =	sbarrier.arrive $0xFFFF;
	(pc) =	sbr.rel @p0 .LBB2_1-.Ltmp3, $4  }
0x4b: {  	[hbm:s9], [sflag:s19] =	dma.local [spmem:s21], $0x2800  }
0x4c: {  	_ =	swait.ge [sflag:s15], $0x2800  }
0x4d: {  	[sflag:s15] =	ssyncset.done $0x0  }
0x4e: {  	[sflag:s15] =	ssyncadd.s32 $0xFFFFD800  }
0x4f: {  	_ =	sfence.sel $0x180000  }
0x50: {  	[bflag:$0x0] =	sbarrier.arrive $0xFFFF  }
0x51: {  	p0 =	sne.s32 s0, $0x0;
	_ =	strace $0x9000004A  }
0x52: {  	s0 =	sadd.s32 @!p0 $0x100000, s1;
	[bflag:$0x2] =	sbarrier.arrive $0xFFFF  }
0x53: {  	[sflag:s0] =	ssyncadd.tile.s32 @!p0 $0x1;
	_ =	shalt  }
.Lfunc_end2:
_tile_overlayer_lowered:
.L_overlay_start_2:
0x54: {  	(tag) =	ssettag $0x2  }
0x55: {  	s0 =	rddreg [dreg:$0x0];
	s2 =	stileid.u32  }
0x56: {  	s1 =	rddreg [dreg:$0x1];
	p0 =	sne.s32 s2, $0x0  }
0x57: {  	s3 =	rddreg [dreg:$0x2];
	[bflag:$0x3] =	sbarrier.arrive $0xFFFF;
	s2 =	simm.s32 @!p0 $0x1C02  }
0x58: {  	[timem:s3], [sflag:s2] =	dma.local @!p0 [hbm:s0], s1  }
0x59: {  	s0 =	simm.s32 @!p0 $0x2  }
0x5a: {  	_ =	swait.ge @!p0 [sflag:s0], s1  }
0x5b: {  	s1 =	ssub.s32 @!p0 $0x0, s1;
	[sflag:s0] =	ssyncset.done @!p0 $0x0  }
0x5c: {  	[sflag:s0] =	ssyncadd.s32 @!p0 s1  }
0x5d: {  	[bflag:$0x3] =	sbarrier.arrive $0xFFFF  }
0x5e: {  	_ =	shalt  }

// kernel: kernel.16.cloned.1.call-start
scs
__scs_entry_jumppad:
0x0: {  	(pc) =	sbr.rel $0x88, $3  }
0x1: {  	(tag) =	ssettag $0x0;
	lr =	simm.s32 $0x1  }
0x2: {  	[smem:$0x3F91] =	sst lr;
	_ =	strace $0xD0000000  }
0x3: {  	_ = 	snop  }
0x4: {  	_ = 	snop  }
0x5: {  	_ = 	snop  }
0x6: {  	_ = 	snop  }
0x7: {  	_ = 	snop  }
__scs_overlays_trampoline_lowered:
0x8: {  	[smem:$0x3FA0] =	sst s0  }
0x9: {  	[smem:$0x3FA1] =	sst s1  }
0xa: {  	[smem:$0x3FA2] =	sst s2  }
0xb: {  	[smem:$0x3FA3] =	sst s3  }
0xc: {  	[smem:$0x3FA4] =	sst s4  }
0xd: {  	[smem:$0x3FA5] =	sst s5  }
0xe: {  	[smem:$0x3FA6] =	sst s6  }
0xf: {  	[smem:$0x3FA7] =	sst s7  }
0x10: {  	[smem:$0x3FA8] =	sst s8  }
0x11: {  	[smem:$0x3FA9] =	sst s9;
	s0 =	simm.s32 @!p0 $0x0  }
0x12: {  	s1 =	sld [smem:$0x3F8F];
	s0 =	simm.s32 @p0 $0x1  }
0x13: {  	[smem:$0x3FAA] =	sst s0;
	s0 =	simm.s32 @!p1 $0x0  }
0x14: {  	s2 =	sld [smem:$0x3F8E];
	s0 =	simm.s32 @p1 $0x1  }
0x15: {  	[smem:$0x3FAB] =	sst s0;
	s0 =	simm.s32 @!p2 $0x0  }
0x16: {  	s3 =	sld [smem:$0x3FDB];
	s0 =	simm.s32 @p2 $0x1  }
0x17: {  	s4 =	simm.s32 $0x1BF5;
	[smem:$0x3FAD] =	sst s0  }
0x18: {  	s0 =	sld [smem:$0x3F90];
	_ =	swait.ge [sflag:s4], $0x0  }
0x19: {  	s7 =	sld [smem:$0x3F91]  }
0x1a: {  	s8 =	sadd.s32 $0xFFFFE003, lr  }
0x1b: {  	s9 =	sadd.s32 $0xFFFFFEF7, lr;
	s5 =	simm.s32 $0xFFFFFFFF;
	p2 =	slt.u32 s8, $0xFFFFF086  }
0x1c: {  	p1 =	slt.u32 s9, $0xF7A;
	s5 =	simm.s32 @!p2 $0x0  }
0x1d: {  	s5 =	simm.s32 @p1 $0x1;
	p0 =	seq.s32 s7, s2  }
0x1e: {  	s7 =	smul.u32 @!p0 $0xF7A, s2;
	p2 =	seq.s32 @!p0 s5, $0x0  }
0x1f: {  	s9 =	smul.u32 $0xF7A, s1;
	s8 =	simm.s32 @!p0 $0x1BF5;
	p2 =	por !p2, p0  }
0x20: {  	[sflag:s8] =	ssyncset.s32 @!p0 $0xFFFFF086;
	s6 =	sadd.s32 @!p0 s3, s7;
	s7 =	simm.s32 @!p0 $0x108  }
0x21: {  	s3 =	sadd.s32 s3, s9;
	s6 =	sadd.s32 @!p0 $0x88, s6;
	s7 =	simm.s32 @p2 $0x1082  }
0x22: {  	[simem:s7], [sflag:s8] =	dma.local @!p0 [hbm:s6], $0xF7A  }
0x23: {  	s9 =	sor.u32 $0xD0000000, s2;
	s6 =	simm.s32 $0x108;
	_ =	swait.ge @!p0 [sflag:s8], $0x0  }
0x24: {  	s3 =	sadd.s32 $0x88, s3;
	s6 =	simm.s32 @!p1 $0x1082;
	[sflag:s4] =	ssyncset.s32 $0xFFFFF086  }
0x25: {  	[simem:s6], [sflag:s4] =	dma.local [hbm:s3], $0xF7A  }
0x26: {  	[smem:$0x3F91] =	sst s1;
	(tag) =	ssettag s2;
	_ =	strace s9  }
0x27: {  	s1 =	sld [smem:$0x3FA1]  }
0x28: {  	s2 =	sld [smem:$0x3FA2]  }
0x29: {  	s4 =	sld [smem:$0x3FA4]  }
0x2a: {  	p0 =	seq.s32 s5, $0x0;
	s5 =	sld [smem:$0x3FA5]  }
0x2b: {  	s6 =	sld [smem:$0x3FA6]  }
0x2c: {  	s7 =	sld [smem:$0x3FA7]  }
0x2d: {  	s3 =	simm.s32 $0x108;
	s8 =	sld [smem:$0x3FA8]  }
0x2e: {  	s3 =	simm.s32 @!p0 $0x1082;
	s9 =	sld [smem:$0x3FA9]  }
0x2f: {  	lr =	sadd.s32 s0, s3;
	s0 =	sld [smem:$0x3FA0]  }
0x30: {  	s3 =	sld [smem:$0x3FA3]  }
0x31: {  	[smem:$0x3FAC] =	sst s10  }
0x32: {  	s10 =	sld [smem:$0x3FAA];
	_ =	sdelay $0x3  }
0x33: {  	p0 =	seq.s32 s10, $0x1;
	s10 =	sld [smem:$0x3FAC];
	_ =	sdelay $0x3  }
0x34: {  	[smem:$0x3FAC] =	sst s10  }
0x35: {  	s10 =	sld [smem:$0x3FAB];
	_ =	sdelay $0x3  }
0x36: {  	p1 =	seq.s32 s10, $0x1;
	s10 =	sld [smem:$0x3FAC];
	_ =	sdelay $0x3  }
0x37: {  	[smem:$0x3FAC] =	sst s10  }
0x38: {  	s10 =	sld [smem:$0x3FAD]  }
0x39: {  	_ = 	snop;
	(pc) =	sbr.ind lr, $3  }
0x3a: {  	_ = 	snop  }
0x3b: {  	_ = 	snop  }
0x3c: {  	p2 =	seq.s32 s10, $0x1;
	s10 =	sld [smem:$0x3FAC]  }
0x3d: {  	_ =	shalt  }
0x3e: {  	_ =	shalt  }
0x3f: {  	_ =	shalt  }
0x40: {  	_ =	shalt  }
0x41: {  	_ =	shalt  }
0x42: {  	_ =	shalt  }
0x43: {  	_ =	shalt  }
0x44: {  	_ =	shalt  }
0x45: {  	_ =	shalt  }
0x46: {  	_ =	shalt  }
0x47: {  	_ =	shalt  }
0x48: {  	_ =	shalt  }
0x49: {  	_ =	shalt  }
0x4a: {  	_ =	shalt  }
0x4b: {  	_ =	shalt  }
0x4c: {  	_ =	shalt  }
0x4d: {  	_ =	shalt  }
0x4e: {  	_ =	shalt  }
0x4f: {  	_ =	shalt  }
0x50: {  	_ =	shalt  }
0x51: {  	_ =	shalt  }
0x52: {  	_ =	shalt  }
0x53: {  	_ =	shalt  }
0x54: {  	_ =	shalt  }
0x55: {  	_ =	shalt  }
0x56: {  	_ =	shalt  }
0x57: {  	_ =	shalt  }
0x58: {  	_ =	shalt  }
0x59: {  	_ =	shalt  }
0x5a: {  	_ =	shalt  }
0x5b: {  	_ =	shalt  }
0x5c: {  	_ =	shalt  }
0x5d: {  	_ =	shalt  }
0x5e: {  	_ =	shalt  }
0x5f: {  	_ =	shalt  }
0x60: {  	_ =	shalt  }
0x61: {  	_ =	shalt  }
0x62: {  	_ =	shalt  }
0x63: {  	_ =	shalt  }
0x64: {  	_ =	shalt  }
0x65: {  	_ =	shalt  }
0x66: {  	_ =	shalt  }
0x67: {  	_ =	shalt  }
0x68: {  	_ =	shalt  }
0x69: {  	_ =	shalt  }
0x6a: {  	_ =	shalt  }
0x6b: {  	_ =	shalt  }
0x6c: {  	_ =	shalt  }
0x6d: {  	_ =	shalt  }
0x6e: {  	_ =	shalt  }
0x6f: {  	_ =	shalt  }
0x70: {  	_ =	shalt  }
0x71: {  	_ =	shalt  }
0x72: {  	_ =	shalt  }
0x73: {  	_ =	shalt  }
0x74: {  	_ =	shalt  }
0x75: {  	_ =	shalt  }
0x76: {  	_ =	shalt  }
0x77: {  	_ =	shalt  }
0x78: {  	_ =	shalt  }
0x79: {  	_ =	shalt  }
0x7a: {  	_ =	shalt  }
0x7b: {  	_ =	shalt  }
0x7c: {  	_ =	shalt  }
0x7d: {  	_ =	shalt  }
0x7e: {  	_ =	shalt  }
0x7f: {  	_ =	shalt  }
0x80: {  	_ =	shalt  }
0x81: {  	_ =	shalt  }
0x82: {  	_ =	shalt  }
0x83: {  	_ =	shalt  }
0x84: {  	_ =	shalt  }
0x85: {  	_ =	shalt  }
0x86: {  	_ =	shalt  }
0x87: {  	_ =	shalt  }
.Lfunc_end0:
.L_simem_size_0:
called_computation.2_lowered:
.L_overlay_start_0:
0x88: {  	s2 =	sld [smem:$0x3FD9]  }
0x89: {  	s3 =	sld [smem:$0x3FFE];
	_ =	sdelay $0x1  }
0x8a: {  	s1 =	srdreg.scid  }
0x8b: {  	s0 =	sand.u32 $0x1, s1  }
0x8c: {  	s16 =	sshll.u32 s0, $0xA;
	s2 =	sadd.s32 s3, s2  }
0x8d: {  	s2 =	sadd.s32 s2, s16  }
0x8e: {  	[smem:$0x3FB8] =	sst s2  }
0x8f: {  	_ = 	snop  }
0x90: {  	(tm) =	ssettm $0x1  }
0x91: {  	s17 =	sld [smem:$0x3FFB];
	_ =	sdelay $0x3  }
0x92: {  	_ =	strace s17  }
0x93: {  	s2 =	sld [smem:$0x3FFC];
	_ =	sdelay $0x3  }
0x94: {  	_ =	strace s2  }
0x95: {  	s2 =	sld [smem:$0x3FFD];
	_ =	sdelay $0x3  }
0x96: {  	_ =	strace s2  }
0x97: {  	_ =	strace $0x8FFFFFFF  }
0x98: {  	s18 =	sld [smem:$0x3FDB];
	_ =	sdelay $0x1  }
0x99: {  	s19 =	simm.s32 $_scs_section_size  }
0x9a: {  	s4 =	simm.s32 $_size__tile_overlayer_lowered;
	s5 =	simm.s32 $_tile_overlayer_lowered  }
0x9b: {  	s22 =	simm.s32 $0x1BFF;
	s21 =	sshll.u32 s5, $0x1;
	s2 =	sadd.s32 s19, s18  }
0x9c: {  	s6 =	simm.s32 $0x0;
	s20 =	sshll.u32 s4, $0x1;
	s4 =	sadd.s32 s21, s2  }
0x9d: {  	[timem:s6], [sflag:s22] =	dma.local [hbm:s4], s20  }
0x9e: {  	_ =	swait.ge [sflag:s22], s20  }
0x9f: {  	s3 =	ssub.s32 $0x0, s20;
	[sflag:s22] =	ssyncset.done $0x0  }
0xa0: {  	[sflag:s22] =	ssyncadd.s32 s3;
	_ =	sdelay $0x1  }
0xa1: {  	s23 =	simm.s32 $0x1B8B  }
0xa2: {  	_ =	swait.ge [sflag:s23], $0x1  }
0xa3: {  	[sflag:s23] =	ssyncset.done $0x0  }
0xa4: {  	s25 =	simm.s32 $0x1B8E;
	s24 =	sld [smem:$0x3FFE];
	[sflag:s23] =	ssyncadd.s32 $0xFFFFFFFF  }
0xa5: {  	s26 =	simm.s32 $execute0_lowered;
	[smem:$0x3FD2] =	sst s25  }
0xa6: {  	s4 =	sshll.u32 s26, $0x1;
	_ =	strace $0x8000004C;
	[dreg:$0x1] =	wrdreg $0xFFFFFFFF  }
0xa7: {  	s28 =	simm.s32 $_size_execute0_lowered;
	s2 =	sadd.s32 s2, s4;
	[dreg:$0x0] =	wrdreg $0x0  }
0xa8: {  	s4 =	sshll.u32 s28, $0x1;
	[dreg:$0x2] =	wrdreg s2  }
0xa9: {  	[dreg:$0x3] =	wrdreg s4  }
0xaa: {  	[dreg:$0x4] =	wrdreg $0xC0  }
0xab: {  	_ =	task [dreg:s6], $0x5FFFF  }
0xac: {  	[dreg:$0x1] =	wrdreg $0xFFFFFFFF  }
0xad: {  	[dreg:$0x0] =	wrdreg $0x60  }
0xae: {  	[dreg:$0x2] =	wrdreg s24  }
0xaf: {  	[dreg:$0x3] =	wrdreg $0xB8000  }
0xb0: {  	[dreg:$0x4] =	wrdreg $0x9  }
0xb1: {  	_ =	task.clear_ibuf [dreg:s6], $0x5FFFF;
	_ =	strace $0x9000004C  }
0xb2: {  	s29 =	simm.s32 $0x9;
	_ =	strace $0x8000004E  }
0xb3: {  	_ =	swait.ge [sflag:s29], $0x1  }
0xb4: {  	[sflag:s29] =	ssyncadd.s32 $0xFFFFFFFF  }
0xb5: {  	_ =	strace $0x9000004E  }
0xb6: {  	_ =	sfence  }
0xb7: {  	s30 =	sld [smem:$0x0];
	_ =	sdelay $0x2  }
0xb8: {  	s31 =	sshll.u32 s1, $0xD;
	s1 =	sshrl.u32 s1, $0x2  }
0xb9: {  	s3 =	sand.u32 $0x4000, s31;
	s1 =	sadd.s32 s1, s30  }
0xba: {  	s0 =	sor.u32 s3, s0;
	s1 =	sshll.u32 s1, $0x11  }
0xbb: {  	s0 =	sor.u32 s1, s0  }
0xbc: {  	s0 =	sadd.s32 $0x8F2B, s0  }
0xbd: {  	[sflag:s0] =	ssyncadd.remote.s32 $0x1  }
0xbe: {  	_ =	sfence.sel $0xFFFF  }
0xbf: {  	[dreg:$0x0] =	wrdreg $0xFFFFFFFF;
	(pc) =	sbr.abs _section_cstart, $3  }
0xc0: {  	[dreg:$0x1] =	wrdreg $0xFFFFFFFF  }
0xc1: {  	_ =	task.clear_ibuf [dreg:s6], $0x2FFFF;
	_ =	strace $0x9FFFFFFF  }
0xc2: {  	(tm) =	ssettm $0x7FFFFFFF  }
0xc3: {  	_ =	shalt  }
tec
execute0_lowered:
.L_overlay_start_1:
0x0: {  	(tag) =	ssettag $0x1  }
0x1: {  	s5 =	rddreg [dreg:$0x0]  }
0x2: {  	s0 =	srdreg.scid;
	s2 =	rddreg [dreg:$0x1]  }
0x3: {  	s1 =	rddreg [dreg:$0x2];
	s6 =	sand.u32 $0x1, s0  }
0x4: {  	s3 =	simm.s32 $0x0;
	s0 =	stileid.u32;
	s4 =	smul.u32 $0x3C000, s6  }
0x5: {  	s15 =	simm.s32 $0x2;
	s16 =	simm.s32 $0x7800;
	s7 =	smul.u32 $0x3C00, s0  }
0x6: {  	s17 =	simm.s32 $0x80;
	s18 =	simm.s32 $0x1;
	s8 =	smul.u32 $0x140000, s6  }
0x7: {  	s20 =	simm.s32 $0x0;
	[smem:$0x7FF] =	sst s3;
	s9 =	smul.u32 $0x14000, s0  }
0x8: {  	_ =	strace $0x8000004D;
	s29 =	ssub.s32 $0x2, s6;
	s31 =	smul.u32 $0x50000, s0  }
0x9: {  	p0 =	seq.s32 s6, $0x0;
	s19 =	sshll.u32 s0, $0x6;
	s30 =	sshrl.u32 s29, $0x1  }
0xa: {  	s19 =	sor.u32 $0x1C02, s19;
	s7 =	sadd.s32 s7, s4;
	s8 =	sadd.s32 s9, s8  }
0xb: {  	s4 =	sadd.s32 $0x2F200, s5;
	s7 =	sshrl.u32 s7, $0x3;
	s8 =	sshrl.u32 s8, $0x3  }
0xc: {  	s7 =	sadd.s32 s7, s5;
	s10 =	sadd.s32 s8, s5;
	s5 =	simm.s32 $0x76  }
0xd: {  	s11 =	ssub.s32 s29, s30;
	s8 =	sshrl.u32 s31, $0x2;
	s5 =	simm.s32 @!p0 $0x28  }
0xe: {  	s6 =	sadd.s32 $0x11200, s7;
	s7 =	sadd.s32 $0x20200, s7;
	s8 =	sadd.s32 s8, s2  }
0xf: {  	s9 =	sadd.s32 $0x56400, s10;
	s10 =	smax.u32 s11, $0x1;
	s11 =	sadd.s32 $0x4000, s8  }
0x10: {  	v0 =	vimm.f32 $0.0e+00;
	s12 =	sadd.s32 $0x8000, s8;
	s13 =	sadd.s32 $0xC000, s8;
	s14 =	sadd.s32 $0x10000, s8  }
.LBB2_1:
0x11: {  	s21 =	sand.u32 $0xFE00, s3  }
0x12: {  	s22 =	sand.u32 $0x70, s3;
	s23 =	sshrl.u32 s21, $0x2  }
0x13: {  	s21 =	simm.s32 $0x40;
	s23 =	sor.u32 s22, s23;
	s22 =	simm.s32 $0x0  }
.LBB2_2:
0x14: {  	p0 =	sne.s32 s21, $0xFFC0  }
0x15: {  	[tilespmem:s23+$0x7800] =	vst v0;
	s22 =	sadd.s32 $0x10, s22;
	s23 =	smov.u32 s21;
	s21 =	sadd.s32 $0x40, s21  }
.Ltmp0:
0x16: {  	(pc) =	sbr.rel @p0 .LBB2_2-.Ltmp0, $4  }
0x17: {  	_ = 	snop  }
0x18: {  	s23 =	sand.u32 $0xFE00, s23  }
0x19: {  	s24 =	sand.u32 $0x70, s22;
	s23 =	sshrl.u32 s23, $0x2  }
0x1a: {  	s23 =	sor.u32 s24, s23  }
0x1b: {  	[tilespmem:s23+$0x7800] =	vst v0;
	s21 =	simm.s32 $0x0  }
0x1c: {  	[tilespmem:s21], [sflag:$0x2] =	stream.linear.gather [hbm4b:s6+s21], $0x3B00, $0x38;
	[tilespmem:$0x1F800] =	vst v63  }
0x1d: {  	_ =	swait.ge [sflag:s15], $0x3B00  }
0x1e: {  	[sflag:s15] =	ssyncset.done $0x0  }
0x1f: {  	s22 =	simm.s32 $0x3C00;
	[sflag:s15] =	ssyncadd.s32 $0xFFFFC500  }
0x20: {  	[tilespmem:s22], [sflag:$0x2] =	stream.linear.gather [hbm4b:s7+s21], $0x3B00, $0x38;
	[tilespmem:$0x1F800] =	vst v63  }
0x21: {  	_ =	swait.ge [sflag:s15], $0x3B00  }
0x22: {  	[sflag:s15] =	ssyncset.done $0x0  }
0x23: {  	[sflag:s15] =	ssyncadd.s32 $0xFFFFC500  }
0x24: {  	[spmem:s8] =	stream.linear.scatter [tilespmem:s16], [sflag:$0x2], $0x4000, $0x38;
	[tilespmem:$0x1F800] =	vst v63  }
0x25: {  	_ =	swait.ge [sflag:s15], $0x4000  }
0x26: {  	[sflag:s15] =	ssyncset.done $0x0  }
0x27: {  	[sflag:s15] =	ssyncadd.s32 $0xFFFFC000  }
0x28: {  	[spmem:s11] =	stream.linear.scatter [tilespmem:s16], [sflag:$0x2], $0x4000, $0x38;
	[tilespmem:$0x1F800] =	vst v63  }
0x29: {  	_ =	swait.ge [sflag:s15], $0x4000  }
0x2a: {  	[sflag:s15] =	ssyncset.done $0x0  }
0x2b: {  	[sflag:s15] =	ssyncadd.s32 $0xFFFFC000  }
0x2c: {  	[spmem:s12] =	stream.linear.scatter [tilespmem:s16], [sflag:$0x2], $0x4000, $0x38;
	[tilespmem:$0x1F800] =	vst v63  }
0x2d: {  	_ =	swait.ge [sflag:s15], $0x4000  }
0x2e: {  	[sflag:s15] =	ssyncset.done $0x0  }
0x2f: {  	[sflag:s15] =	ssyncadd.s32 $0xFFFFC000  }
0x30: {  	[spmem:s13] =	stream.linear.scatter [tilespmem:s16], [sflag:$0x2], $0x4000, $0x38;
	[tilespmem:$0x1F800] =	vst v63  }
0x31: {  	_ =	swait.ge [sflag:s15], $0x4000  }
0x32: {  	[sflag:s15] =	ssyncset.done $0x0  }
0x33: {  	[sflag:s15] =	ssyncadd.s32 $0xFFFFC000  }
0x34: {  	[spmem:s14] =	stream.linear.scatter [tilespmem:s16], [sflag:$0x2], $0x4000, $0x38;
	[tilespmem:$0x1F800] =	vst v63  }
0x35: {  	_ =	swait.ge [sflag:s15], $0x4000  }
0x36: {  	[sflag:s15] =	ssyncset.done $0x0  }
0x37: {  	[sflag:s15] =	ssyncadd.s32 $0xFFFFC000  }
0x38: {  	[bflag:$0x0] =	sbarrier.arrive $0xFFFF  }
0x39: {  	[tilespmem:s16], [sflag:$0x1] =	stream.indirect.gather [hbm4b:s4+s17], $0x80, s21, s17, $0xb8;
	[tilespmem:$0x1F800] =	vst v63  }
0x3a: {  	p0 =	sne.s32 s5, $0x1;
	_ =	swait.ge [sflag:s18], $0x4000  }
.Ltmp1:
0x3b: {  	[sflag:s18] =	ssyncset.done $0x0;
	(pc) =	sbr.rel @!p0 .LBB2_5-.Ltmp1, $4  }
0x3c: {  	[sflag:s18] =	ssyncadd.s32 $0xFFFFC000  }
0x3d: {  	[spmem:s2] =	stream.indirect.scatter.add.f32 [tilespmem:s16], [sflag:$0x2], $0x80, s22, s17, $0xb8;
	[tilespmem:$0x1F800] =	vst v63  }
0x3e: {  	_ =	swait.ge [sflag:s15], $0x4000  }
0x3f: {  	s23 =	sadd.s32 $0xFFFFFFFF, s5;
	[sflag:s15] =	ssyncset.done $0x0  }
.LBB2_4:
0x40: {  	[sflag:s15] =	ssyncadd.s32 $0xFFFFC000;
	s21 =	sadd.s32 $0x80, s21;
	s22 =	sadd.s32 $0x80, s22  }
0x41: {  	[tilespmem:s16], [sflag:$0x1] =	stream.indirect.gather [hbm4b:s4+s17], $0x80, s21, s17, $0xb8;
	[tilespmem:$0x1F800] =	vst v63  }
0x42: {  	p0 =	sne.s32 s23, $0x1;
	s23 =	sadd.s32 $0xFFFFFFFF, s23;
	_ =	swait.ge [sflag:s18], $0x4000  }
.Ltmp2:
0x43: {  	[sflag:s18] =	ssyncset.done $0x0;
	(pc) =	sbr.rel @p0 .LBB2_4-.Ltmp2, $4  }
0x44: {  	[sflag:s18] =	ssyncadd.s32 $0xFFFFC000  }
0x45: {  	[spmem:s2] =	stream.indirect.scatter.add.f32 [tilespmem:s16], [sflag:$0x2], $0x80, s22, s17, $0xb8;
	[tilespmem:$0x1F800] =	vst v63  }
0x46: {  	_ =	swait.ge [sflag:s15], $0x4000  }
0x47: {  	[sflag:s15] =	ssyncset.done $0x0  }
.LBB2_5:
0x48: {  	s20 =	sadd.s32 $0x1, s20  }
0x49: {  	[sflag:s15] =	ssyncadd.s32 $0xFFFFC000;
	p0 =	sne.s32 s20, s10  }
.Ltmp3:
0x4a: {  	s21 =	sshrl.u32 s8, $0x3;
	[bflag:$0x0] =	sbarrier.arrive $0xFFFF;
	(pc) =	sbr.rel @p0 .LBB2_1-.Ltmp3, $4  }
0x4b: {  	[hbm:s9], [sflag:s19] =	dma.local [spmem:s21], $0x2800  }
0x4c: {  	_ =	swait.ge [sflag:s15], $0x2800  }
0x4d: {  	[sflag:s15] =	ssyncset.done $0x0  }
0x4e: {  	[sflag:s15] =	ssyncadd.s32 $0xFFFFD800  }
0x4f: {  	_ =	sfence.sel $0x180000  }
0x50: {  	[bflag:$0x0] =	sbarrier.arrive $0xFFFF  }
0x51: {  	p0 =	sne.s32 s0, $0x0;
	_ =	strace $0x9000004D  }
0x52: {  	s0 =	sadd.s32 @!p0 $0x100000, s1;
	[bflag:$0x2] =	sbarrier.arrive $0xFFFF  }
0x53: {  	[sflag:s0] =	ssyncadd.tile.s32 @!p0 $0x1;
	_ =	shalt  }
.Lfunc_end2:
_tile_overlayer_lowered:
.L_overlay_start_2:
0x54: {  	(tag) =	ssettag $0x2  }
0x55: {  	s0 =	rddreg [dreg:$0x0];
	s2 =	stileid.u32  }
0x56: {  	s1 =	rddreg [dreg:$0x1];
	p0 =	sne.s32 s2, $0x0  }
0x57: {  	s3 =	rddreg [dreg:$0x2];
	[bflag:$0x3] =	sbarrier.arrive $0xFFFF;
	s2 =	simm.s32 @!p0 $0x1C02  }
0x58: {  	[timem:s3], [sflag:s2] =	dma.local @!p0 [hbm:s0], s1  }
0x59: {  	s0 =	simm.s32 @!p0 $0x2  }
0x5a: {  	_ =	swait.ge @!p0 [sflag:s0], s1  }
0x5b: {  	s1 =	ssub.s32 @!p0 $0x0, s1;
	[sflag:s0] =	ssyncset.done @!p0 $0x0  }
0x5c: {  	[sflag:s0] =	ssyncadd.s32 @!p0 s1  }
0x5d: {  	[bflag:$0x3] =	sbarrier.arrive $0xFFFF  }
0x5e: {  	_ =	shalt  }

// kernel: kernel.19.cloned.1.call-start
scs
__scs_entry_jumppad:
0x0: {  	(pc) =	sbr.rel $0x88, $3  }
0x1: {  	(tag) =	ssettag $0x0;
	lr =	simm.s32 $0x1  }
0x2: {  	[smem:$0x3F91] =	sst lr;
	_ =	strace $0xD0000000  }
0x3: {  	_ = 	snop  }
0x4: {  	_ = 	snop  }
0x5: {  	_ = 	snop  }
0x6: {  	_ = 	snop  }
0x7: {  	_ = 	snop  }
__scs_overlays_trampoline_lowered:
0x8: {  	[smem:$0x3FA0] =	sst s0  }
0x9: {  	[smem:$0x3FA1] =	sst s1  }
0xa: {  	[smem:$0x3FA2] =	sst s2  }
0xb: {  	[smem:$0x3FA3] =	sst s3  }
0xc: {  	[smem:$0x3FA4] =	sst s4  }
0xd: {  	[smem:$0x3FA5] =	sst s5  }
0xe: {  	[smem:$0x3FA6] =	sst s6  }
0xf: {  	[smem:$0x3FA7] =	sst s7  }
0x10: {  	[smem:$0x3FA8] =	sst s8  }
0x11: {  	[smem:$0x3FA9] =	sst s9;
	s0 =	simm.s32 @!p0 $0x0  }
0x12: {  	s1 =	sld [smem:$0x3F8F];
	s0 =	simm.s32 @p0 $0x1  }
0x13: {  	[smem:$0x3FAA] =	sst s0;
	s0 =	simm.s32 @!p1 $0x0  }
0x14: {  	s2 =	sld [smem:$0x3F8E];
	s0 =	simm.s32 @p1 $0x1  }
0x15: {  	[smem:$0x3FAB] =	sst s0;
	s0 =	simm.s32 @!p2 $0x0  }
0x16: {  	s3 =	sld [smem:$0x3FDB];
	s0 =	simm.s32 @p2 $0x1  }
0x17: {  	s4 =	simm.s32 $0x1BF5;
	[smem:$0x3FAD] =	sst s0  }
0x18: {  	s0 =	sld [smem:$0x3F90];
	_ =	swait.ge [sflag:s4], $0x0  }
0x19: {  	s7 =	sld [smem:$0x3F91]  }
0x1a: {  	s8 =	sadd.s32 $0xFFFFE003, lr  }
0x1b: {  	s9 =	sadd.s32 $0xFFFFFEF7, lr;
	s5 =	simm.s32 $0xFFFFFFFF;
	p2 =	slt.u32 s8, $0xFFFFF086  }
0x1c: {  	p1 =	slt.u32 s9, $0xF7A;
	s5 =	simm.s32 @!p2 $0x0  }
0x1d: {  	s5 =	simm.s32 @p1 $0x1;
	p0 =	seq.s32 s7, s2  }
0x1e: {  	s7 =	smul.u32 @!p0 $0xF7A, s2;
	p2 =	seq.s32 @!p0 s5, $0x0  }
0x1f: {  	s9 =	smul.u32 $0xF7A, s1;
	s8 =	simm.s32 @!p0 $0x1BF5;
	p2 =	por !p2, p0  }
0x20: {  	[sflag:s8] =	ssyncset.s32 @!p0 $0xFFFFF086;
	s6 =	sadd.s32 @!p0 s3, s7;
	s7 =	simm.s32 @!p0 $0x108  }
0x21: {  	s3 =	sadd.s32 s3, s9;
	s6 =	sadd.s32 @!p0 $0x88, s6;
	s7 =	simm.s32 @p2 $0x1082  }
0x22: {  	[simem:s7], [sflag:s8] =	dma.local @!p0 [hbm:s6], $0xF7A  }
0x23: {  	s9 =	sor.u32 $0xD0000000, s2;
	s6 =	simm.s32 $0x108;
	_ =	swait.ge @!p0 [sflag:s8], $0x0  }
0x24: {  	s3 =	sadd.s32 $0x88, s3;
	s6 =	simm.s32 @!p1 $0x1082;
	[sflag:s4] =	ssyncset.s32 $0xFFFFF086  }
0x25: {  	[simem:s6], [sflag:s4] =	dma.local [hbm:s3], $0xF7A  }
0x26: {  	[smem:$0x3F91] =	sst s1;
	(tag) =	ssettag s2;
	_ =	strace s9  }
0x27: {  	s1 =	sld [smem:$0x3FA1]  }
0x28: {  	s2 =	sld [smem:$0x3FA2]  }
0x29: {  	s4 =	sld [smem:$0x3FA4]  }
0x2a: {  	p0 =	seq.s32 s5, $0x0;
	s5 =	sld [smem:$0x3FA5]  }
0x2b: {  	s6 =	sld [smem:$0x3FA6]  }
0x2c: {  	s7 =	sld [smem:$0x3FA7]  }
0x2d: {  	s3 =	simm.s32 $0x108;
	s8 =	sld [smem:$0x3FA8]  }
0x2e: {  	s3 =	simm.s32 @!p0 $0x1082;
	s9 =	sld [smem:$0x3FA9]  }
0x2f: {  	lr =	sadd.s32 s0, s3;
	s0 =	sld [smem:$0x3FA0]  }
0x30: {  	s3 =	sld [smem:$0x3FA3]  }
0x31: {  	[smem:$0x3FAC] =	sst s10  }
0x32: {  	s10 =	sld [smem:$0x3FAA];
	_ =	sdelay $0x3  }
0x33: {  	p0 =	seq.s32 s10, $0x1;
	s10 =	sld [smem:$0x3FAC];
	_ =	sdelay $0x3  }
0x34: {  	[smem:$0x3FAC] =	sst s10  }
0x35: {  	s10 =	sld [smem:$0x3FAB];
	_ =	sdelay $0x3  }
0x36: {  	p1 =	seq.s32 s10, $0x1;
	s10 =	sld [smem:$0x3FAC];
	_ =	sdelay $0x3  }
0x37: {  	[smem:$0x3FAC] =	sst s10  }
0x38: {  	s10 =	sld [smem:$0x3FAD]  }
0x39: {  	_ = 	snop;
	(pc) =	sbr.ind lr, $3  }
0x3a: {  	_ = 	snop  }
0x3b: {  	_ = 	snop  }
0x3c: {  	p2 =	seq.s32 s10, $0x1;
	s10 =	sld [smem:$0x3FAC]  }
0x3d: {  	_ =	shalt  }
0x3e: {  	_ =	shalt  }
0x3f: {  	_ =	shalt  }
0x40: {  	_ =	shalt  }
0x41: {  	_ =	shalt  }
0x42: {  	_ =	shalt  }
0x43: {  	_ =	shalt  }
0x44: {  	_ =	shalt  }
0x45: {  	_ =	shalt  }
0x46: {  	_ =	shalt  }
0x47: {  	_ =	shalt  }
0x48: {  	_ =	shalt  }
0x49: {  	_ =	shalt  }
0x4a: {  	_ =	shalt  }
0x4b: {  	_ =	shalt  }
0x4c: {  	_ =	shalt  }
0x4d: {  	_ =	shalt  }
0x4e: {  	_ =	shalt  }
0x4f: {  	_ =	shalt  }
0x50: {  	_ =	shalt  }
0x51: {  	_ =	shalt  }
0x52: {  	_ =	shalt  }
0x53: {  	_ =	shalt  }
0x54: {  	_ =	shalt  }
0x55: {  	_ =	shalt  }
0x56: {  	_ =	shalt  }
0x57: {  	_ =	shalt  }
0x58: {  	_ =	shalt  }
0x59: {  	_ =	shalt  }
0x5a: {  	_ =	shalt  }
0x5b: {  	_ =	shalt  }
0x5c: {  	_ =	shalt  }
0x5d: {  	_ =	shalt  }
0x5e: {  	_ =	shalt  }
0x5f: {  	_ =	shalt  }
0x60: {  	_ =	shalt  }
0x61: {  	_ =	shalt  }
0x62: {  	_ =	shalt  }
0x63: {  	_ =	shalt  }
0x64: {  	_ =	shalt  }
0x65: {  	_ =	shalt  }
0x66: {  	_ =	shalt  }
0x67: {  	_ =	shalt  }
0x68: {  	_ =	shalt  }
0x69: {  	_ =	shalt  }
0x6a: {  	_ =	shalt  }
0x6b: {  	_ =	shalt  }
0x6c: {  	_ =	shalt  }
0x6d: {  	_ =	shalt  }
0x6e: {  	_ =	shalt  }
0x6f: {  	_ =	shalt  }
0x70: {  	_ =	shalt  }
0x71: {  	_ =	shalt  }
0x72: {  	_ =	shalt  }
0x73: {  	_ =	shalt  }
0x74: {  	_ =	shalt  }
0x75: {  	_ =	shalt  }
0x76: {  	_ =	shalt  }
0x77: {  	_ =	shalt  }
0x78: {  	_ =	shalt  }
0x79: {  	_ =	shalt  }
0x7a: {  	_ =	shalt  }
0x7b: {  	_ =	shalt  }
0x7c: {  	_ =	shalt  }
0x7d: {  	_ =	shalt  }
0x7e: {  	_ =	shalt  }
0x7f: {  	_ =	shalt  }
0x80: {  	_ =	shalt  }
0x81: {  	_ =	shalt  }
0x82: {  	_ =	shalt  }
0x83: {  	_ =	shalt  }
0x84: {  	_ =	shalt  }
0x85: {  	_ =	shalt  }
0x86: {  	_ =	shalt  }
0x87: {  	_ =	shalt  }
.Lfunc_end0:
.L_simem_size_0:
called_computation.3_lowered:
.L_overlay_start_0:
0x88: {  	s2 =	sld [smem:$0x3FD9]  }
0x89: {  	s3 =	sld [smem:$0x3FFE];
	_ =	sdelay $0x1  }
0x8a: {  	s1 =	srdreg.scid  }
0x8b: {  	s0 =	sand.u32 $0x1, s1  }
0x8c: {  	s16 =	sshll.u32 s0, $0xA;
	s2 =	sadd.s32 s3, s2  }
0x8d: {  	s2 =	sadd.s32 s2, s16  }
0x8e: {  	[smem:$0x3FB8] =	sst s2  }
0x8f: {  	_ = 	snop  }
0x90: {  	(tm) =	ssettm $0x1  }
0x91: {  	s17 =	sld [smem:$0x3FFB];
	_ =	sdelay $0x3  }
0x92: {  	_ =	strace s17  }
0x93: {  	s2 =	sld [smem:$0x3FFC];
	_ =	sdelay $0x3  }
0x94: {  	_ =	strace s2  }
0x95: {  	s2 =	sld [smem:$0x3FFD];
	_ =	sdelay $0x3  }
0x96: {  	_ =	strace s2  }
0x97: {  	_ =	strace $0x8FFFFFFF  }
0x98: {  	s18 =	sld [smem:$0x3FDB];
	_ =	sdelay $0x1  }
0x99: {  	s19 =	simm.s32 $_scs_section_size  }
0x9a: {  	s4 =	simm.s32 $_size__tile_overlayer_lowered;
	s5 =	simm.s32 $_tile_overlayer_lowered  }
0x9b: {  	s22 =	simm.s32 $0x1BFF;
	s21 =	sshll.u32 s5, $0x1;
	s2 =	sadd.s32 s19, s18  }
0x9c: {  	s6 =	simm.s32 $0x0;
	s20 =	sshll.u32 s4, $0x1;
	s4 =	sadd.s32 s21, s2  }
0x9d: {  	[timem:s6], [sflag:s22] =	dma.local [hbm:s4], s20  }
0x9e: {  	_ =	swait.ge [sflag:s22], s20  }
0x9f: {  	s3 =	ssub.s32 $0x0, s20;
	[sflag:s22] =	ssyncset.done $0x0  }
0xa0: {  	[sflag:s22] =	ssyncadd.s32 s3;
	_ =	sdelay $0x1  }
0xa1: {  	s23 =	simm.s32 $0x1B8B  }
0xa2: {  	_ =	swait.ge [sflag:s23], $0x1  }
0xa3: {  	[sflag:s23] =	ssyncset.done $0x0  }
0xa4: {  	s25 =	simm.s32 $0x1B8E;
	s24 =	sld [smem:$0x3FFE];
	[sflag:s23] =	ssyncadd.s32 $0xFFFFFFFF  }
0xa5: {  	s26 =	simm.s32 $execute0_lowered;
	[smem:$0x3FD2] =	sst s25  }
0xa6: {  	s4 =	sshll.u32 s26, $0x1;
	_ =	strace $0x8000004F;
	[dreg:$0x1] =	wrdreg $0xFFFFFFFF  }
0xa7: {  	s28 =	simm.s32 $_size_execute0_lowered;
	s2 =	sadd.s32 s2, s4;
	[dreg:$0x0] =	wrdreg $0x0  }
0xa8: {  	s4 =	sshll.u32 s28, $0x1;
	[dreg:$0x2] =	wrdreg s2  }
0xa9: {  	[dreg:$0x3] =	wrdreg s4  }
0xaa: {  	[dreg:$0x4] =	wrdreg $0xC0  }
0xab: {  	_ =	task [dreg:s6], $0x5FFFF  }
0xac: {  	[dreg:$0x1] =	wrdreg $0xFFFFFFFF  }
0xad: {  	[dreg:$0x0] =	wrdreg $0x60  }
0xae: {  	[dreg:$0x2] =	wrdreg s24  }
0xaf: {  	[dreg:$0x3] =	wrdreg $0xB0000  }
0xb0: {  	[dreg:$0x4] =	wrdreg $0x9  }
0xb1: {  	_ =	task.clear_ibuf [dreg:s6], $0x5FFFF;
	_ =	strace $0x9000004F  }
0xb2: {  	s29 =	simm.s32 $0x9;
	_ =	strace $0x80000051  }
0xb3: {  	_ =	swait.ge [sflag:s29], $0x1  }
0xb4: {  	[sflag:s29] =	ssyncadd.s32 $0xFFFFFFFF  }
0xb5: {  	_ =	strace $0x90000051  }
0xb6: {  	_ =	sfence  }
0xb7: {  	s30 =	sld [smem:$0x0];
	_ =	sdelay $0x2  }
0xb8: {  	s31 =	sshll.u32 s1, $0xD;
	s1 =	sshrl.u32 s1, $0x2  }
0xb9: {  	s3 =	sand.u32 $0x4000, s31;
	s1 =	sadd.s32 s1, s30  }
0xba: {  	s0 =	sor.u32 s3, s0;
	s1 =	sshll.u32 s1, $0x11  }
0xbb: {  	s0 =	sor.u32 s1, s0  }
0xbc: {  	s0 =	sadd.s32 $0x8F2B, s0  }
0xbd: {  	[sflag:s0] =	ssyncadd.remote.s32 $0x1  }
0xbe: {  	_ =	sfence.sel $0xFFFF  }
0xbf: {  	[dreg:$0x0] =	wrdreg $0xFFFFFFFF;
	(pc) =	sbr.abs _section_cstart, $3  }
0xc0: {  	[dreg:$0x1] =	wrdreg $0xFFFFFFFF  }
0xc1: {  	_ =	task.clear_ibuf [dreg:s6], $0x2FFFF;
	_ =	strace $0x9FFFFFFF  }
0xc2: {  	(tm) =	ssettm $0x7FFFFFFF  }
0xc3: {  	_ =	shalt  }
tec
execute0_lowered:
.L_overlay_start_1:
0x0: {  	(tag) =	ssettag $0x1  }
0x1: {  	s5 =	rddreg [dreg:$0x0]  }
0x2: {  	s0 =	srdreg.scid;
	s2 =	rddreg [dreg:$0x1]  }
0x3: {  	s1 =	rddreg [dreg:$0x2];
	s6 =	sand.u32 $0x1, s0  }
0x4: {  	s3 =	simm.s32 $0x0;
	s0 =	stileid.u32;
	s4 =	smul.u32 $0x38000, s6  }
0x5: {  	s15 =	simm.s32 $0x2;
	s16 =	simm.s32 $0x7000;
	s7 =	smul.u32 $0x3800, s0  }
0x6: {  	s17 =	simm.s32 $0x80;
	s18 =	simm.s32 $0x1;
	s8 =	smul.u32 $0x140000, s6  }
0x7: {  	s20 =	simm.s32 $0x0;
	[smem:$0x7FF] =	sst s3;
	s9 =	smul.u32 $0x14000, s0  }
0x8: {  	_ =	strace $0x80000050;
	s29 =	ssub.s32 $0x2, s6;
	s31 =	smul.u32 $0x50000, s0  }
0x9: {  	p0 =	seq.s32 s6, $0x0;
	s19 =	sshll.u32 s0, $0x6;
	s30 =	sshrl.u32 s29, $0x1  }
0xa: {  	s19 =	sor.u32 $0x1C02, s19;
	s7 =	sadd.s32 s7, s4;
	s8 =	sadd.s32 s9, s8  }
0xb: {  	s4 =	sadd.s32 $0x11200, s5;
	s7 =	sshrl.u32 s7, $0x3;
	s8 =	sshrl.u32 s8, $0x3  }
0xc: {  	s7 =	sadd.s32 s7, s5;
	s10 =	sadd.s32 s8, s5;
	s5 =	simm.s32 $0x6E  }
0xd: {  	s11 =	ssub.s32 s29, s30;
	s8 =	sshrl.u32 s31, $0x2;
	s5 =	simm.s32 @!p0 $0x30  }
0xe: {  	s6 =	sadd.s32 $0xA6400, s7;
	s7 =	sadd.s32 $0x3200, s7;
	s8 =	sadd.s32 s8, s2  }
0xf: {  	s9 =	sadd.s32 $0x38400, s10;
	s10 =	smax.u32 s11, $0x1;
	s11 =	sadd.s32 $0x4000, s8  }
0x10: {  	v0 =	vimm.f32 $0.0e+00;
	s12 =	sadd.s32 $0x8000, s8;
	s13 =	sadd.s32 $0xC000, s8;
	s14 =	sadd.s32 $0x10000, s8  }
.LBB2_1:
0x11: {  	s21 =	sand.u32 $0xFE00, s3  }
0x12: {  	s22 =	sand.u32 $0x70, s3;
	s23 =	sshrl.u32 s21, $0x2  }
0x13: {  	s21 =	simm.s32 $0x40;
	s23 =	sor.u32 s22, s23;
	s22 =	simm.s32 $0x0  }
.LBB2_2:
0x14: {  	p0 =	sne.s32 s21, $0xFFC0  }
0x15: {  	[tilespmem:s23+$0x7000] =	vst v0;
	s22 =	sadd.s32 $0x10, s22;
	s23 =	smov.u32 s21;
	s21 =	sadd.s32 $0x40, s21  }
.Ltmp0:
0x16: {  	(pc) =	sbr.rel @p0 .LBB2_2-.Ltmp0, $4  }
0x17: {  	_ = 	snop  }
0x18: {  	s23 =	sand.u32 $0xFE00, s23  }
0x19: {  	s24 =	sand.u32 $0x70, s22;
	s23 =	sshrl.u32 s23, $0x2  }
0x1a: {  	s23 =	sor.u32 s24, s23  }
0x1b: {  	[tilespmem:s23+$0x7000] =	vst v0;
	s21 =	simm.s32 $0x0  }
0x1c: {  	[tilespmem:s21], [sflag:$0x2] =	stream.linear.gather [hbm4b:s6+s21], $0x3700, $0x38;
	[tilespmem:$0x1F000] =	vst v63  }
0x1d: {  	_ =	swait.ge [sflag:s15], $0x3700  }
0x1e: {  	[sflag:s15] =	ssyncset.done $0x0  }
0x1f: {  	s22 =	simm.s32 $0x3800;
	[sflag:s15] =	ssyncadd.s32 $0xFFFFC900  }
0x20: {  	[tilespmem:s22], [sflag:$0x2] =	stream.linear.gather [hbm4b:s7+s21], $0x3700, $0x38;
	[tilespmem:$0x1F000] =	vst v63  }
0x21: {  	_ =	swait.ge [sflag:s15], $0x3700  }
0x22: {  	[sflag:s15] =	ssyncset.done $0x0  }
0x23: {  	[sflag:s15] =	ssyncadd.s32 $0xFFFFC900  }
0x24: {  	[spmem:s8] =	stream.linear.scatter [tilespmem:s16], [sflag:$0x2], $0x4000, $0x38;
	[tilespmem:$0x1F000] =	vst v63  }
0x25: {  	_ =	swait.ge [sflag:s15], $0x4000  }
0x26: {  	[sflag:s15] =	ssyncset.done $0x0  }
0x27: {  	[sflag:s15] =	ssyncadd.s32 $0xFFFFC000  }
0x28: {  	[spmem:s11] =	stream.linear.scatter [tilespmem:s16], [sflag:$0x2], $0x4000, $0x38;
	[tilespmem:$0x1F000] =	vst v63  }
0x29: {  	_ =	swait.ge [sflag:s15], $0x4000  }
0x2a: {  	[sflag:s15] =	ssyncset.done $0x0  }
0x2b: {  	[sflag:s15] =	ssyncadd.s32 $0xFFFFC000  }
0x2c: {  	[spmem:s12] =	stream.linear.scatter [tilespmem:s16], [sflag:$0x2], $0x4000, $0x38;
	[tilespmem:$0x1F000] =	vst v63  }
0x2d: {  	_ =	swait.ge [sflag:s15], $0x4000  }
0x2e: {  	[sflag:s15] =	ssyncset.done $0x0  }
0x2f: {  	[sflag:s15] =	ssyncadd.s32 $0xFFFFC000  }
0x30: {  	[spmem:s13] =	stream.linear.scatter [tilespmem:s16], [sflag:$0x2], $0x4000, $0x38;
	[tilespmem:$0x1F000] =	vst v63  }
0x31: {  	_ =	swait.ge [sflag:s15], $0x4000  }
0x32: {  	[sflag:s15] =	ssyncset.done $0x0  }
0x33: {  	[sflag:s15] =	ssyncadd.s32 $0xFFFFC000  }
0x34: {  	[spmem:s14] =	stream.linear.scatter [tilespmem:s16], [sflag:$0x2], $0x4000, $0x38;
	[tilespmem:$0x1F000] =	vst v63  }
0x35: {  	_ =	swait.ge [sflag:s15], $0x4000  }
0x36: {  	[sflag:s15] =	ssyncset.done $0x0  }
0x37: {  	[sflag:s15] =	ssyncadd.s32 $0xFFFFC000  }
0x38: {  	[bflag:$0x0] =	sbarrier.arrive $0xFFFF  }
0x39: {  	[tilespmem:s16], [sflag:$0x1] =	stream.indirect.gather [hbm4b:s4+s17], $0x80, s21, s17, $0xb8;
	[tilespmem:$0x1F000] =	vst v63  }
0x3a: {  	p0 =	sne.s32 s5, $0x1;
	_ =	swait.ge [sflag:s18], $0x4000  }
.Ltmp1:
0x3b: {  	[sflag:s18] =	ssyncset.done $0x0;
	(pc) =	sbr.rel @!p0 .LBB2_5-.Ltmp1, $4  }
0x3c: {  	[sflag:s18] =	ssyncadd.s32 $0xFFFFC000  }
0x3d: {  	[spmem:s2] =	stream.indirect.scatter.add.f32 [tilespmem:s16], [sflag:$0x2], $0x80, s22, s17, $0xb8;
	[tilespmem:$0x1F000] =	vst v63  }
0x3e: {  	_ =	swait.ge [sflag:s15], $0x4000  }
0x3f: {  	s23 =	sadd.s32 $0xFFFFFFFF, s5;
	[sflag:s15] =	ssyncset.done $0x0  }
.LBB2_4:
0x40: {  	[sflag:s15] =	ssyncadd.s32 $0xFFFFC000;
	s21 =	sadd.s32 $0x80, s21;
	s22 =	sadd.s32 $0x80, s22  }
0x41: {  	[tilespmem:s16], [sflag:$0x1] =	stream.indirect.gather [hbm4b:s4+s17], $0x80, s21, s17, $0xb8;
	[tilespmem:$0x1F000] =	vst v63  }
0x42: {  	p0 =	sne.s32 s23, $0x1;
	s23 =	sadd.s32 $0xFFFFFFFF, s23;
	_ =	swait.ge [sflag:s18], $0x4000  }
.Ltmp2:
0x43: {  	[sflag:s18] =	ssyncset.done $0x0;
	(pc) =	sbr.rel @p0 .LBB2_4-.Ltmp2, $4  }
0x44: {  	[sflag:s18] =	ssyncadd.s32 $0xFFFFC000  }
0x45: {  	[spmem:s2] =	stream.indirect.scatter.add.f32 [tilespmem:s16], [sflag:$0x2], $0x80, s22, s17, $0xb8;
	[tilespmem:$0x1F000] =	vst v63  }
0x46: {  	_ =	swait.ge [sflag:s15], $0x4000  }
0x47: {  	[sflag:s15] =	ssyncset.done $0x0  }
.LBB2_5:
0x48: {  	s20 =	sadd.s32 $0x1, s20  }
0x49: {  	[sflag:s15] =	ssyncadd.s32 $0xFFFFC000;
	p0 =	sne.s32 s20, s10  }
.Ltmp3:
0x4a: {  	s21 =	sshrl.u32 s8, $0x3;
	[bflag:$0x0] =	sbarrier.arrive $0xFFFF;
	(pc) =	sbr.rel @p0 .LBB2_1-.Ltmp3, $4  }
0x4b: {  	[hbm:s9], [sflag:s19] =	dma.local [spmem:s21], $0x2800  }
0x4c: {  	_ =	swait.ge [sflag:s15], $0x2800  }
0x4d: {  	[sflag:s15] =	ssyncset.done $0x0  }
0x4e: {  	[sflag:s15] =	ssyncadd.s32 $0xFFFFD800  }
0x4f: {  	_ =	sfence.sel $0x180000  }
0x50: {  	[bflag:$0x0] =	sbarrier.arrive $0xFFFF  }
0x51: {  	p0 =	sne.s32 s0, $0x0;
	_ =	strace $0x90000050  }
0x52: {  	s0 =	sadd.s32 @!p0 $0x100000, s1;
	[bflag:$0x2] =	sbarrier.arrive $0xFFFF  }
0x53: {  	[sflag:s0] =	ssyncadd.tile.s32 @!p0 $0x1;
	_ =	shalt  }
.Lfunc_end2:
_tile_overlayer_lowered:
.L_overlay_start_2:
0x54: {  	(tag) =	ssettag $0x2  }
0x55: {  	s0 =	rddreg [dreg:$0x0];
	s2 =	stileid.u32  }
0x56: {  	s1 =	rddreg [dreg:$0x1];
	p0 =	sne.s32 s2, $0x0  }
0x57: {  	s3 =	rddreg [dreg:$0x2];
	[bflag:$0x3] =	sbarrier.arrive $0xFFFF;
	s2 =	simm.s32 @!p0 $0x1C02  }
0x58: {  	[timem:s3], [sflag:s2] =	dma.local @!p0 [hbm:s0], s1  }
0x59: {  	s0 =	simm.s32 @!p0 $0x2  }
0x5a: {  	_ =	swait.ge @!p0 [sflag:s0], s1  }
0x5b: {  	s1 =	ssub.s32 @!p0 $0x0, s1;
	[sflag:s0] =	ssyncset.done @!p0 $0x0  }
0x5c: {  	[sflag:s0] =	ssyncadd.s32 @!p0 s1  }
0x5d: {  	[bflag:$0x3] =	sbarrier.arrive $0xFFFF  }
0x5e: {  	_ =	shalt  }

</sc_bundles>
